<compile_context>
chip_gen: v7x
topology: tpu7x:2x2x1
jax: 0.10.2.dev20260603
libtpu: 0.0.44.dev20260713+nightly
codegen_flags: <defaults>
</compile_context>

<pallas_src>
import functools

import jax
import jax.numpy as jnp
from jax import lax
from jax.experimental import pallas as pl
from jax.experimental.pallas import tpu as pltpu
from jax.experimental.pallas import tpu_sc as plsc


def kernel(x, embedding_list):
    B = x.shape[0]
    V, D = embedding_list.shape
    info = plsc.get_sparse_core_info()
    NC, NS = info.num_cores, info.num_subcores
    NW = NC * NS
    CH = 128
    GC = 1
    NGB = 4
    LAG = 3
    n_rows = B // CH
    rows_per_w = n_rows // NW
    n_groups = rows_per_w // GC
    x2 = x.reshape(n_rows, CH)

    mesh = plsc.VectorSubcoreMesh(core_axis_name="c", subcore_axis_name="s")

    @functools.partial(
        pl.kernel,
        out_type=jax.ShapeDtypeStruct((B, D), jnp.float32),
        mesh=mesh,
        scratch_types=[
            pltpu.VMEM((rows_per_w, CH), jnp.int32),
            pltpu.VMEM((NGB, GC * CH, D), jnp.float32),
            pltpu.VMEM_SHARED((V, D), jnp.float32),
            pltpu.SemaphoreType.DMA((NGB,)),
            pltpu.SemaphoreType.DMA((NGB,)),
        ],
    )
    def emb_kernel(x_hbm, tab_hbm, out_hbm, idx_v, rows_v, tab_sh, gsem, wsem):
        wid = lax.axis_index("s") * NC + lax.axis_index("c")
        row0 = wid * rows_per_w

        @pl.when(lax.axis_index("s") == 0)
        def _():
            pltpu.sync_copy(tab_hbm, tab_sh)

        pltpu.sync_copy(x_hbm.at[pl.ds(row0, rows_per_w)], idx_v)
        plsc.subcore_barrier()

        def gather(j, h, q):
            return pltpu.make_async_copy(
                tab_sh.at[idx_v.at[j * GC + q]],
                rows_v.at[h, pl.ds(q * CH, CH)],
                gsem.at[h],
            )

        def write(j, h):
            return pltpu.make_async_copy(
                rows_v.at[h],
                out_hbm.at[pl.ds((row0 + j * GC) * CH, GC * CH)],
                wsem.at[h],
            )

        for k in range(LAG):
            for q in range(GC):
                gather(k, k, q).start()

        def body(i, carry):
            for h in range(NGB):
                j = NGB * i + h
                hn = (h + LAG) % NGB

                @pl.when(j + LAG < n_groups)
                def _():
                    @pl.when(j >= NGB - LAG)
                    def _():
                        write(j, hn).wait()

                    for q in range(GC):
                        gather(j + LAG, hn, q).start()

                for q in range(GC):
                    gather(j, h, q).wait()
                write(j, h).start()
            return carry

        lax.fori_loop(0, n_groups // NGB, body, 0)
        for h in range(NGB):
            write(0, h).wait()

    return emb_kernel(x2, embedding_list)

# --- scband reference (transcript-rebuilt; emitter-appended) ---
"""Pipeline reference for scband-dtnnembedding-17085379904198 (READ-ONLY COPY).

The authoritative reference and input builder live on the scoring server;
editing this copy changes nothing except your own understanding.
"""

import jax, jax.numpy as jnp
import numpy as np

N_ATOMS = 1048576
PT_LEN = 100
N_EMB = 128

def setup_inputs(seed: int = 0) -> dict:
    key = jax.random.key(seed)
    k1, k2 = jax.random.split(key)
    x = jax.random.randint(k1, (N_ATOMS,), 0, PT_LEN, dtype=jnp.int64 if jax.config.jax_enable_x64 else jnp.int32).astype(jnp.int32)
    # glorot_uniform init for embedding table [PT_LEN, N_EMB]
    limit = np.sqrt(6.0 / (PT_LEN + N_EMB))
    embedding_list = jax.random.uniform(k2, (PT_LEN, N_EMB), dtype=jnp.float32, minval=-limit, maxval=limit)
    return {"x": x, "embedding_list": embedding_list}

def reference(x, embedding_list):
    # DTNNEmbedding.call: tf.nn.embedding_lookup(embedding_list, x)
    atom_features = jnp.take(embedding_list, x, axis=0)
    return atom_features

if __name__ == "__main__":
    import jax
    _d = setup_inputs()
    print(jax.jit(kernel)(*tuple(_d.values())))

</pallas_src>

<mosaic_0001>
#map = affine_map<(d0, d1) -> (0, 0)>
module attributes {stable_mosaic.version = 14 : i64} {
  func.func @emb_kernel(%arg0: i32, %arg1: i32, %arg2: memref<8192x128xi32, #tpu.memory_space<hbm>>, %arg3: memref<100x128xf32, #tpu.memory_space<hbm>>, %arg4: memref<1048576x128xf32, #tpu.memory_space<hbm>>, %arg5: memref<256x128xi32, #tpu.memory_space<vmem>>, %arg6: memref<4x128x128xf32, #tpu.memory_space<vmem>>, %arg7: memref<100x128xf32, #tpu.memory_space<vmem_shared>>, %arg8: memref<4x!tpu.dma_semaphore, #tpu.memory_space<semaphore_mem>>, %arg9: memref<4x!tpu.dma_semaphore, #tpu.memory_space<semaphore_mem>>) attributes {dimension_semantics = [#tpu.dimension_semantics<core_parallel>, #tpu.dimension_semantics<subcore_parallel>], iteration_bounds = array<i64: 2, 16>, scalar_prefetch = 0 : i64, scratch_operands = 5 : i64, tpu.core_type = #tpu.core_type<sc_vector_subcore>, window_params = [{transform_indices = #map}, {transform_indices = #map}, {transform_indices = #map}]} {
    %mul3A = arith.constant 2 : i32
    %mul3A_0 = arith.muli %arg1, %mul3A : i32
    %add3A = arith.addi %mul3A_0, %arg0 : i32
    %mul3A_1 = arith.constant 256 : i32
    %mul3A_2 = arith.muli %add3A, %mul3A_1 : i32
    %eq3A = arith.constant 0 : i32
    %eq3A_3 = arith.cmpi eq, %arg1, %eq3A : i32
    %convert_element_type3A = arith.extui %eq3A_3 : i1 to i32
    %cond3A = arith.constant 0 : i32
    %cond3A_4 = arith.cmpi ne, %convert_element_type3A, %cond3A : i32
    scf.if %cond3A_4 {
      "tpu.region"() ({
        %run_scoped3A = tpu.sem_alloc : memref<!tpu.dma_semaphore, #tpu.memory_space<semaphore_mem>>
        tpu.enqueue_dma source(%arg3 : memref<100x128xf32, #tpu.memory_space<hbm>>) target(%arg7 : memref<100x128xf32, #tpu.memory_space<vmem_shared>>) target_semaphore(%run_scoped3A : memref<!tpu.dma_semaphore, #tpu.memory_space<semaphore_mem>>)
        tpu.wait_dma2 semaphore(%run_scoped3A : memref<!tpu.dma_semaphore, #tpu.memory_space<semaphore_mem>>) src(%arg3 : memref<100x128xf32, #tpu.memory_space<hbm>>) dst(%arg7 : memref<100x128xf32, #tpu.memory_space<vmem_shared>>)
        tpu.yield
      }) : () -> ()
    } else {
    }
    "tpu.region"() ({
      %run_scoped3A = tpu.sem_alloc : memref<!tpu.dma_semaphore, #tpu.memory_space<semaphore_mem>>
      %dma_start3A_133 = arith.constant 0 : i32
      %dma_start3A_134 = tpu.memref_slice %arg2[%mul3A_2, %dma_start3A_133] : memref<8192x128xi32, #tpu.memory_space<hbm>> -> memref<256x128xi32, #tpu.memory_space<hbm>>
      %dma_start3A_135 = arith.constant 0 : i32
      %dma_start3A_136 = tpu.memref_slice %arg2[%mul3A_2, %dma_start3A_135] : memref<8192x128xi32, #tpu.memory_space<hbm>> -> memref<256x128xi32, #tpu.memory_space<hbm>>
      tpu.enqueue_dma source(%dma_start3A_136 : memref<256x128xi32, #tpu.memory_space<hbm>>) target(%arg5 : memref<256x128xi32, #tpu.memory_space<vmem>>) target_semaphore(%run_scoped3A : memref<!tpu.dma_semaphore, #tpu.memory_space<semaphore_mem>>)
      %dma_wait3A_137 = arith.constant 0 : i32
      %dma_wait3A_138 = tpu.memref_slice %arg2[%mul3A_2, %dma_wait3A_137] : memref<8192x128xi32, #tpu.memory_space<hbm>> -> memref<256x128xi32, #tpu.memory_space<hbm>>
      %dma_wait3A_139 = arith.constant 0 : i32
      %dma_wait3A_140 = tpu.memref_slice %arg2[%mul3A_2, %dma_wait3A_139] : memref<8192x128xi32, #tpu.memory_space<hbm>> -> memref<256x128xi32, #tpu.memory_space<hbm>>
      tpu.wait_dma2 semaphore(%run_scoped3A : memref<!tpu.dma_semaphore, #tpu.memory_space<semaphore_mem>>) src(%dma_wait3A_140 : memref<256x128xi32, #tpu.memory_space<hbm>>) dst(%arg5 : memref<256x128xi32, #tpu.memory_space<vmem>>)
      tpu.yield
    }) : () -> ()
    %barrier3A = arith.constant 0 : index
    tpu.barrier barrier_id(%barrier3A)
    %dma_start3A = arith.constant 0 : i32
    %dma_start3A_5 = arith.constant 0 : i32
    %dma_start3A_6 = arith.constant 0 : i32
    %dma_start3A_7 = arith.constant 0 : i32
    %dma_start3A_8 = arith.constant 0 : i32
    %dma_start3A_9 = tpu.memref_slice %arg6[%dma_start3A_5, %dma_start3A_7, %dma_start3A_8] : memref<4x128x128xf32, #tpu.memory_space<vmem>> -> memref<1x128x128xf32, #tpu.memory_space<vmem>>
    %dma_start3A_10 = tpu.memref_squeeze %dma_start3A_9 : memref<1x128x128xf32, #tpu.memory_space<vmem>> -> memref<128x128xf32, #tpu.memory_space<vmem>>
    %dma_start3A_11 = arith.constant 0 : i32
    %dma_start3A_12 = tpu.memref_slice %arg5[%dma_start3A, %dma_start3A_11] : memref<256x128xi32, #tpu.memory_space<vmem>> -> memref<1x128xi32, #tpu.memory_space<vmem>>
    %dma_start3A_13 = tpu.memref_squeeze %dma_start3A_12 : memref<1x128xi32, #tpu.memory_space<vmem>> -> memref<128xi32, #tpu.memory_space<vmem>>
    %dma_start3A_14 = arith.constant 0 : i32
    %dma_start3A_15 = arith.constant 0 : i32
    %dma_start3A_16 = tpu.memref_slice %arg7[%dma_start3A_14, %dma_start3A_15] : memref<100x128xf32, #tpu.memory_space<vmem_shared>> -> memref<100x128xf32, #tpu.memory_space<vmem_shared>>
    %dma_start3A_17 = tpu.memref_slice %arg8[%dma_start3A_6] : memref<4x!tpu.dma_semaphore, #tpu.memory_space<semaphore_mem>> -> memref<1x!tpu.dma_semaphore, #tpu.memory_space<semaphore_mem>>
    %dma_start3A_18 = tpu.memref_squeeze %dma_start3A_17 : memref<1x!tpu.dma_semaphore, #tpu.memory_space<semaphore_mem>> -> memref<!tpu.dma_semaphore, #tpu.memory_space<semaphore_mem>>
    tpu.enqueue_indirect_dma source(%dma_start3A_16 : memref<100x128xf32, #tpu.memory_space<vmem_shared>>) target(%dma_start3A_10 : memref<128x128xf32, #tpu.memory_space<vmem>>) offsets(%dma_start3A_13 : memref<128xi32, #tpu.memory_space<vmem>>) semaphore(%dma_start3A_18 : memref<!tpu.dma_semaphore, #tpu.memory_space<semaphore_mem>>)
    %dma_start3A_19 = arith.constant 1 : i32
    %dma_start3A_20 = arith.constant 1 : i32
    %dma_start3A_21 = arith.constant 1 : i32
    %dma_start3A_22 = arith.constant 0 : i32
    %dma_start3A_23 = arith.constant 0 : i32
    %dma_start3A_24 = tpu.memref_slice %arg6[%dma_start3A_20, %dma_start3A_22, %dma_start3A_23] : memref<4x128x128xf32, #tpu.memory_space<vmem>> -> memref<1x128x128xf32, #tpu.memory_space<vmem>>
    %dma_start3A_25 = tpu.memref_squeeze %dma_start3A_24 : memref<1x128x128xf32, #tpu.memory_space<vmem>> -> memref<128x128xf32, #tpu.memory_space<vmem>>
    %dma_start3A_26 = arith.constant 0 : i32
    %dma_start3A_27 = tpu.memref_slice %arg5[%dma_start3A_19, %dma_start3A_26] : memref<256x128xi32, #tpu.memory_space<vmem>> -> memref<1x128xi32, #tpu.memory_space<vmem>>
    %dma_start3A_28 = tpu.memref_squeeze %dma_start3A_27 : memref<1x128xi32, #tpu.memory_space<vmem>> -> memref<128xi32, #tpu.memory_space<vmem>>
    %dma_start3A_29 = arith.constant 0 : i32
    %dma_start3A_30 = arith.constant 0 : i32
    %dma_start3A_31 = tpu.memref_slice %arg7[%dma_start3A_29, %dma_start3A_30] : memref<100x128xf32, #tpu.memory_space<vmem_shared>> -> memref<100x128xf32, #tpu.memory_space<vmem_shared>>
    %dma_start3A_32 = tpu.memref_slice %arg8[%dma_start3A_21] : memref<4x!tpu.dma_semaphore, #tpu.memory_space<semaphore_mem>> -> memref<1x!tpu.dma_semaphore, #tpu.memory_space<semaphore_mem>>
    %dma_start3A_33 = tpu.memref_squeeze %dma_start3A_32 : memref<1x!tpu.dma_semaphore, #tpu.memory_space<semaphore_mem>> -> memref<!tpu.dma_semaphore, #tpu.memory_space<semaphore_mem>>
    tpu.enqueue_indirect_dma source(%dma_start3A_31 : memref<100x128xf32, #tpu.memory_space<vmem_shared>>) target(%dma_start3A_25 : memref<128x128xf32, #tpu.memory_space<vmem>>) offsets(%dma_start3A_28 : memref<128xi32, #tpu.memory_space<vmem>>) semaphore(%dma_start3A_33 : memref<!tpu.dma_semaphore, #tpu.memory_space<semaphore_mem>>)
    %dma_start3A_34 = arith.constant 2 : i32
    %dma_start3A_35 = arith.constant 2 : i32
    %dma_start3A_36 = arith.constant 2 : i32
    %dma_start3A_37 = arith.constant 0 : i32
    %dma_start3A_38 = arith.constant 0 : i32
    %dma_start3A_39 = tpu.memref_slice %arg6[%dma_start3A_35, %dma_start3A_37, %dma_start3A_38] : memref<4x128x128xf32, #tpu.memory_space<vmem>> -> memref<1x128x128xf32, #tpu.memory_space<vmem>>
    %dma_start3A_40 = tpu.memref_squeeze %dma_start3A_39 : memref<1x128x128xf32, #tpu.memory_space<vmem>> -> memref<128x128xf32, #tpu.memory_space<vmem>>
    %dma_start3A_41 = arith.constant 0 : i32
    %dma_start3A_42 = tpu.memref_slice %arg5[%dma_start3A_34, %dma_start3A_41] : memref<256x128xi32, #tpu.memory_space<vmem>> -> memref<1x128xi32, #tpu.memory_space<vmem>>
    %dma_start3A_43 = tpu.memref_squeeze %dma_start3A_42 : memref<1x128xi32, #tpu.memory_space<vmem>> -> memref<128xi32, #tpu.memory_space<vmem>>
    %dma_start3A_44 = arith.constant 0 : i32
    %dma_start3A_45 = arith.constant 0 : i32
    %dma_start3A_46 = tpu.memref_slice %arg7[%dma_start3A_44, %dma_start3A_45] : memref<100x128xf32, #tpu.memory_space<vmem_shared>> -> memref<100x128xf32, #tpu.memory_space<vmem_shared>>
    %dma_start3A_47 = tpu.memref_slice %arg8[%dma_start3A_36] : memref<4x!tpu.dma_semaphore, #tpu.memory_space<semaphore_mem>> -> memref<1x!tpu.dma_semaphore, #tpu.memory_space<semaphore_mem>>
    %dma_start3A_48 = tpu.memref_squeeze %dma_start3A_47 : memref<1x!tpu.dma_semaphore, #tpu.memory_space<semaphore_mem>> -> memref<!tpu.dma_semaphore, #tpu.memory_space<semaphore_mem>>
    tpu.enqueue_indirect_dma source(%dma_start3A_46 : memref<100x128xf32, #tpu.memory_space<vmem_shared>>) target(%dma_start3A_40 : memref<128x128xf32, #tpu.memory_space<vmem>>) offsets(%dma_start3A_43 : memref<128xi32, #tpu.memory_space<vmem>>) semaphore(%dma_start3A_48 : memref<!tpu.dma_semaphore, #tpu.memory_space<semaphore_mem>>)
    %scan3A = arith.constant 0 : i32
    %scan3A_49 = arith.constant 0 : i32
    %scan3A_50 = arith.constant 64 : i32
    %scan3A_51 = arith.addi %scan3A_49, %scan3A_50 : i32
    %scan3A_52 = arith.constant 1 : i32
    scf.for %scan3A_133 = %scan3A_49 to %scan3A_51 step %scan3A_52  : i32 {
      %mul3A_134 = arith.constant 4 : i32
      %mul3A_135 = arith.muli %mul3A_134, %scan3A_133 : i32
      %add3A_136 = arith.constant 0 : i32
      %add3A_137 = arith.addi %mul3A_135, %add3A_136 : i32
      %add3A_138 = arith.constant 3 : i32
      %add3A_139 = arith.addi %add3A_137, %add3A_138 : i32
      %lt3A = arith.constant 256 : i32
      %lt3A_140 = arith.cmpi slt, %add3A_139, %lt3A : i32
      %convert_element_type3A_141 = arith.extui %lt3A_140 : i1 to i32
      %cond3A_142 = arith.constant 0 : i32
      %cond3A_143 = arith.cmpi ne, %convert_element_type3A_141, %cond3A_142 : i32
      scf.if %cond3A_143 {
        %ge3A = arith.constant 1 : i32
        %ge3A_333 = arith.cmpi sge, %add3A_137, %ge3A : i32
        %convert_element_type3A_334 = arith.extui %ge3A_333 : i1 to i32
        %cond3A_335 = arith.constant 0 : i32
        %cond3A_336 = arith.cmpi ne, %convert_element_type3A_334, %cond3A_335 : i32
        scf.if %cond3A_336 {
          %mul3A_357 = arith.constant 1 : i32
          %mul3A_358 = arith.muli %add3A_137, %mul3A_357 : i32
          %add3A_359 = arith.addi %mul3A_2, %mul3A_358 : i32
          %mul3A_360 = arith.constant 128 : i32
          %mul3A_361 = arith.muli %add3A_359, %mul3A_360 : i32
          %dma_wait3A_362 = arith.constant 3 : i32
          %dma_wait3A_363 = arith.constant 3 : i32
          %dma_wait3A_364 = arith.constant 0 : i32
          %dma_wait3A_365 = arith.constant 0 : i32
          %dma_wait3A_366 = tpu.memref_slice %arg6[%dma_wait3A_362, %dma_wait3A_364, %dma_wait3A_365] : memref<4x128x128xf32, #tpu.memory_space<vmem>> -> memref<1x128x128xf32, #tpu.memory_space<vmem>>
          %dma_wait3A_367 = tpu.memref_squeeze %dma_wait3A_366 : memref<1x128x128xf32, #tpu.memory_space<vmem>> -> memref<128x128xf32, #tpu.memory_space<vmem>>
          %dma_wait3A_368 = arith.constant 0 : i32
          %dma_wait3A_369 = tpu.memref_slice %arg4[%mul3A_361, %dma_wait3A_368] : memref<1048576x128xf32, #tpu.memory_space<hbm>> -> memref<128x128xf32, #tpu.memory_space<hbm>>
          %dma_wait3A_370 = tpu.memref_slice %arg9[%dma_wait3A_363] : memref<4x!tpu.dma_semaphore, #tpu.memory_space<semaphore_mem>> -> memref<1x!tpu.dma_semaphore, #tpu.memory_space<semaphore_mem>>
          %dma_wait3A_371 = tpu.memref_squeeze %dma_wait3A_370 : memref<1x!tpu.dma_semaphore, #tpu.memory_space<semaphore_mem>> -> memref<!tpu.dma_semaphore, #tpu.memory_space<semaphore_mem>>
          %dma_wait3A_372 = arith.constant 0 : i32
          %dma_wait3A_373 = tpu.memref_slice %arg4[%mul3A_361, %dma_wait3A_372] : memref<1048576x128xf32, #tpu.memory_space<hbm>> -> memref<128x128xf32, #tpu.memory_space<hbm>>
          %dma_wait3A_374 = arith.constant 0 : i32
          %dma_wait3A_375 = arith.constant 0 : i32
          %dma_wait3A_376 = tpu.memref_slice %arg6[%dma_wait3A_362, %dma_wait3A_374, %dma_wait3A_375] : memref<4x128x128xf32, #tpu.memory_space<vmem>> -> memref<1x128x128xf32, #tpu.memory_space<vmem>>
          %dma_wait3A_377 = tpu.memref_squeeze %dma_wait3A_376 : memref<1x128x128xf32, #tpu.memory_space<vmem>> -> memref<128x128xf32, #tpu.memory_space<vmem>>
          tpu.wait_dma2 semaphore(%dma_wait3A_371 : memref<!tpu.dma_semaphore, #tpu.memory_space<semaphore_mem>>) src(%dma_wait3A_377 : memref<128x128xf32, #tpu.memory_space<vmem>>) dst(%dma_wait3A_373 : memref<128x128xf32, #tpu.memory_space<hbm>>)
        } else {
        }
        %add3A_337 = arith.constant 3 : i32
        %add3A_338 = arith.addi %add3A_137, %add3A_337 : i32
        %mul3A_339 = arith.constant 1 : i32
        %mul3A_340 = arith.muli %add3A_338, %mul3A_339 : i32
        %add3A_341 = arith.constant 0 : i32
        %add3A_342 = arith.addi %mul3A_340, %add3A_341 : i32
        %dma_start3A_343 = arith.constant 3 : i32
        %dma_start3A_344 = arith.constant 3 : i32
        %dma_start3A_345 = arith.constant 0 : i32
        %dma_start3A_346 = arith.constant 0 : i32
        %dma_start3A_347 = tpu.memref_slice %arg6[%dma_start3A_343, %dma_start3A_345, %dma_start3A_346] : memref<4x128x128xf32, #tpu.memory_space<vmem>> -> memref<1x128x128xf32, #tpu.memory_space<vmem>>
        %dma_start3A_348 = tpu.memref_squeeze %dma_start3A_347 : memref<1x128x128xf32, #tpu.memory_space<vmem>> -> memref<128x128xf32, #tpu.memory_space<vmem>>
        %dma_start3A_349 = arith.constant 0 : i32
        %dma_start3A_350 = tpu.memref_slice %arg5[%add3A_342, %dma_start3A_349] : memref<256x128xi32, #tpu.memory_space<vmem>> -> memref<1x128xi32, #tpu.memory_space<vmem>>
        %dma_start3A_351 = tpu.memref_squeeze %dma_start3A_350 : memref<1x128xi32, #tpu.memory_space<vmem>> -> memref<128xi32, #tpu.memory_space<vmem>>
        %dma_start3A_352 = arith.constant 0 : i32
        %dma_start3A_353 = arith.constant 0 : i32
        %dma_start3A_354 = tpu.memref_slice %arg7[%dma_start3A_352, %dma_start3A_353] : memref<100x128xf32, #tpu.memory_space<vmem_shared>> -> memref<100x128xf32, #tpu.memory_space<vmem_shared>>
        %dma_start3A_355 = tpu.memref_slice %arg8[%dma_start3A_344] : memref<4x!tpu.dma_semaphore, #tpu.memory_space<semaphore_mem>> -> memref<1x!tpu.dma_semaphore, #tpu.memory_space<semaphore_mem>>
        %dma_start3A_356 = tpu.memref_squeeze %dma_start3A_355 : memref<1x!tpu.dma_semaphore, #tpu.memory_space<semaphore_mem>> -> memref<!tpu.dma_semaphore, #tpu.memory_space<semaphore_mem>>
        tpu.enqueue_indirect_dma source(%dma_start3A_354 : memref<100x128xf32, #tpu.memory_space<vmem_shared>>) target(%dma_start3A_348 : memref<128x128xf32, #tpu.memory_space<vmem>>) offsets(%dma_start3A_351 : memref<128xi32, #tpu.memory_space<vmem>>) semaphore(%dma_start3A_356 : memref<!tpu.dma_semaphore, #tpu.memory_space<semaphore_mem>>)
      } else {
      }
      %mul3A_144 = arith.constant 1 : i32
      %mul3A_145 = arith.muli %add3A_137, %mul3A_144 : i32
      %add3A_146 = arith.constant 0 : i32
      %add3A_147 = arith.addi %mul3A_145, %add3A_146 : i32
      %dma_wait3A_148 = arith.constant 0 : i32
      %dma_wait3A_149 = arith.constant 0 : i32
      %dma_wait3A_150 = arith.constant 0 : i32
      %dma_wait3A_151 = arith.constant 0 : i32
      %dma_wait3A_152 = tpu.memref_slice %arg6[%dma_wait3A_148, %dma_wait3A_150, %dma_wait3A_151] : memref<4x128x128xf32, #tpu.memory_space<vmem>> -> memref<1x128x128xf32, #tpu.memory_space<vmem>>
      %dma_wait3A_153 = tpu.memref_squeeze %dma_wait3A_152 : memref<1x128x128xf32, #tpu.memory_space<vmem>> -> memref<128x128xf32, #tpu.memory_space<vmem>>
      %dma_wait3A_154 = arith.constant 0 : i32
      %dma_wait3A_155 = tpu.memref_slice %arg5[%add3A_147, %dma_wait3A_154] : memref<256x128xi32, #tpu.memory_space<vmem>> -> memref<1x128xi32, #tpu.memory_space<vmem>>
      %dma_wait3A_156 = tpu.memref_squeeze %dma_wait3A_155 : memref<1x128xi32, #tpu.memory_space<vmem>> -> memref<128xi32, #tpu.memory_space<vmem>>
      %dma_wait3A_157 = arith.constant 0 : i32
      %dma_wait3A_158 = arith.constant 0 : i32
      %dma_wait3A_159 = tpu.memref_slice %arg7[%dma_wait3A_157, %dma_wait3A_158] : memref<100x128xf32, #tpu.memory_space<vmem_shared>> -> memref<100x128xf32, #tpu.memory_space<vmem_shared>>
      %dma_wait3A_160 = tpu.memref_slice %arg8[%dma_wait3A_149] : memref<4x!tpu.dma_semaphore, #tpu.memory_space<semaphore_mem>> -> memref<1x!tpu.dma_semaphore, #tpu.memory_space<semaphore_mem>>
      %dma_wait3A_161 = tpu.memref_squeeze %dma_wait3A_160 : memref<1x!tpu.dma_semaphore, #tpu.memory_space<semaphore_mem>> -> memref<!tpu.dma_semaphore, #tpu.memory_space<semaphore_mem>>
      tpu.wait_indirect_dma semaphore(%dma_wait3A_161 : memref<!tpu.dma_semaphore, #tpu.memory_space<semaphore_mem>>) src(%dma_wait3A_159 : memref<100x128xf32, #tpu.memory_space<vmem_shared>>) dst(%dma_wait3A_153 : memref<128x128xf32, #tpu.memory_space<vmem>>)
      %mul3A_162 = arith.constant 1 : i32
      %mul3A_163 = arith.muli %add3A_137, %mul3A_162 : i32
      %add3A_164 = arith.addi %mul3A_2, %mul3A_163 : i32
      %mul3A_165 = arith.constant 128 : i32
      %mul3A_166 = arith.muli %add3A_164, %mul3A_165 : i32
      %dma_start3A_167 = arith.constant 0 : i32
      %dma_start3A_168 = arith.constant 0 : i32
      %dma_start3A_169 = arith.constant 0 : i32
      %dma_start3A_170 = arith.constant 0 : i32
      %dma_start3A_171 = tpu.memref_slice %arg6[%dma_start3A_167, %dma_start3A_169, %dma_start3A_170] : memref<4x128x128xf32, #tpu.memory_space<vmem>> -> memref<1x128x128xf32, #tpu.memory_space<vmem>>
      %dma_start3A_172 = tpu.memref_squeeze %dma_start3A_171 : memref<1x128x128xf32, #tpu.memory_space<vmem>> -> memref<128x128xf32, #tpu.memory_space<vmem>>
      %dma_start3A_173 = arith.constant 0 : i32
      %dma_start3A_174 = tpu.memref_slice %arg4[%mul3A_166, %dma_start3A_173] : memref<1048576x128xf32, #tpu.memory_space<hbm>> -> memref<128x128xf32, #tpu.memory_space<hbm>>
      %dma_start3A_175 = tpu.memref_slice %arg9[%dma_start3A_168] : memref<4x!tpu.dma_semaphore, #tpu.memory_space<semaphore_mem>> -> memref<1x!tpu.dma_semaphore, #tpu.memory_space<semaphore_mem>>
      %dma_start3A_176 = tpu.memref_squeeze %dma_start3A_175 : memref<1x!tpu.dma_semaphore, #tpu.memory_space<semaphore_mem>> -> memref<!tpu.dma_semaphore, #tpu.memory_space<semaphore_mem>>
      %dma_start3A_177 = arith.constant 0 : i32
      %dma_start3A_178 = tpu.memref_slice %arg4[%mul3A_166, %dma_start3A_177] : memref<1048576x128xf32, #tpu.memory_space<hbm>> -> memref<128x128xf32, #tpu.memory_space<hbm>>
      %dma_start3A_179 = arith.constant 0 : i32
      %dma_start3A_180 = arith.constant 0 : i32
      %dma_start3A_181 = tpu.memref_slice %arg6[%dma_start3A_167, %dma_start3A_179, %dma_start3A_180] : memref<4x128x128xf32, #tpu.memory_space<vmem>> -> memref<1x128x128xf32, #tpu.memory_space<vmem>>
      %dma_start3A_182 = tpu.memref_squeeze %dma_start3A_181 : memref<1x128x128xf32, #tpu.memory_space<vmem>> -> memref<128x128xf32, #tpu.memory_space<vmem>>
      tpu.enqueue_dma source(%dma_start3A_182 : memref<128x128xf32, #tpu.memory_space<vmem>>) target(%dma_start3A_178 : memref<128x128xf32, #tpu.memory_space<hbm>>) target_semaphore(%dma_start3A_176 : memref<!tpu.dma_semaphore, #tpu.memory_space<semaphore_mem>>)
      %mul3A_183 = arith.constant 4 : i32
      %mul3A_184 = arith.muli %mul3A_183, %scan3A_133 : i32
      %add3A_185 = arith.constant 1 : i32
      %add3A_186 = arith.addi %mul3A_184, %add3A_185 : i32
      %add3A_187 = arith.constant 3 : i32
      %add3A_188 = arith.addi %add3A_186, %add3A_187 : i32
      %lt3A_189 = arith.constant 256 : i32
      %lt3A_190 = arith.cmpi slt, %add3A_188, %lt3A_189 : i32
      %convert_element_type3A_191 = arith.extui %lt3A_190 : i1 to i32
      %cond3A_192 = arith.constant 0 : i32
      %cond3A_193 = arith.cmpi ne, %convert_element_type3A_191, %cond3A_192 : i32
      scf.if %cond3A_193 {
        %ge3A = arith.constant 1 : i32
        %ge3A_333 = arith.cmpi sge, %add3A_186, %ge3A : i32
        %convert_element_type3A_334 = arith.extui %ge3A_333 : i1 to i32
        %cond3A_335 = arith.constant 0 : i32
        %cond3A_336 = arith.cmpi ne, %convert_element_type3A_334, %cond3A_335 : i32
        scf.if %cond3A_336 {
          %mul3A_357 = arith.constant 1 : i32
          %mul3A_358 = arith.muli %add3A_186, %mul3A_357 : i32
          %add3A_359 = arith.addi %mul3A_2, %mul3A_358 : i32
          %mul3A_360 = arith.constant 128 : i32
          %mul3A_361 = arith.muli %add3A_359, %mul3A_360 : i32
          %dma_wait3A_362 = arith.constant 0 : i32
          %dma_wait3A_363 = arith.constant 0 : i32
          %dma_wait3A_364 = arith.constant 0 : i32
          %dma_wait3A_365 = arith.constant 0 : i32
          %dma_wait3A_366 = tpu.memref_slice %arg6[%dma_wait3A_362, %dma_wait3A_364, %dma_wait3A_365] : memref<4x128x128xf32, #tpu.memory_space<vmem>> -> memref<1x128x128xf32, #tpu.memory_space<vmem>>
          %dma_wait3A_367 = tpu.memref_squeeze %dma_wait3A_366 : memref<1x128x128xf32, #tpu.memory_space<vmem>> -> memref<128x128xf32, #tpu.memory_space<vmem>>
          %dma_wait3A_368 = arith.constant 0 : i32
          %dma_wait3A_369 = tpu.memref_slice %arg4[%mul3A_361, %dma_wait3A_368] : memref<1048576x128xf32, #tpu.memory_space<hbm>> -> memref<128x128xf32, #tpu.memory_space<hbm>>
          %dma_wait3A_370 = tpu.memref_slice %arg9[%dma_wait3A_363] : memref<4x!tpu.dma_semaphore, #tpu.memory_space<semaphore_mem>> -> memref<1x!tpu.dma_semaphore, #tpu.memory_space<semaphore_mem>>
          %dma_wait3A_371 = tpu.memref_squeeze %dma_wait3A_370 : memref<1x!tpu.dma_semaphore, #tpu.memory_space<semaphore_mem>> -> memref<!tpu.dma_semaphore, #tpu.memory_space<semaphore_mem>>
          %dma_wait3A_372 = arith.constant 0 : i32
          %dma_wait3A_373 = tpu.memref_slice %arg4[%mul3A_361, %dma_wait3A_372] : memref<1048576x128xf32, #tpu.memory_space<hbm>> -> memref<128x128xf32, #tpu.memory_space<hbm>>
          %dma_wait3A_374 = arith.constant 0 : i32
          %dma_wait3A_375 = arith.constant 0 : i32
          %dma_wait3A_376 = tpu.memref_slice %arg6[%dma_wait3A_362, %dma_wait3A_374, %dma_wait3A_375] : memref<4x128x128xf32, #tpu.memory_space<vmem>> -> memref<1x128x128xf32, #tpu.memory_space<vmem>>
          %dma_wait3A_377 = tpu.memref_squeeze %dma_wait3A_376 : memref<1x128x128xf32, #tpu.memory_space<vmem>> -> memref<128x128xf32, #tpu.memory_space<vmem>>
          tpu.wait_dma2 semaphore(%dma_wait3A_371 : memref<!tpu.dma_semaphore, #tpu.memory_space<semaphore_mem>>) src(%dma_wait3A_377 : memref<128x128xf32, #tpu.memory_space<vmem>>) dst(%dma_wait3A_373 : memref<128x128xf32, #tpu.memory_space<hbm>>)
        } else {
        }
        %add3A_337 = arith.constant 3 : i32
        %add3A_338 = arith.addi %add3A_186, %add3A_337 : i32
        %mul3A_339 = arith.constant 1 : i32
        %mul3A_340 = arith.muli %add3A_338, %mul3A_339 : i32
        %add3A_341 = arith.constant 0 : i32
        %add3A_342 = arith.addi %mul3A_340, %add3A_341 : i32
        %dma_start3A_343 = arith.constant 0 : i32
        %dma_start3A_344 = arith.constant 0 : i32
        %dma_start3A_345 = arith.constant 0 : i32
        %dma_start3A_346 = arith.constant 0 : i32
        %dma_start3A_347 = tpu.memref_slice %arg6[%dma_start3A_343, %dma_start3A_345, %dma_start3A_346] : memref<4x128x128xf32, #tpu.memory_space<vmem>> -> memref<1x128x128xf32, #tpu.memory_space<vmem>>
        %dma_start3A_348 = tpu.memref_squeeze %dma_start3A_347 : memref<1x128x128xf32, #tpu.memory_space<vmem>> -> memref<128x128xf32, #tpu.memory_space<vmem>>
        %dma_start3A_349 = arith.constant 0 : i32
        %dma_start3A_350 = tpu.memref_slice %arg5[%add3A_342, %dma_start3A_349] : memref<256x128xi32, #tpu.memory_space<vmem>> -> memref<1x128xi32, #tpu.memory_space<vmem>>
        %dma_start3A_351 = tpu.memref_squeeze %dma_start3A_350 : memref<1x128xi32, #tpu.memory_space<vmem>> -> memref<128xi32, #tpu.memory_space<vmem>>
        %dma_start3A_352 = arith.constant 0 : i32
        %dma_start3A_353 = arith.constant 0 : i32
        %dma_start3A_354 = tpu.memref_slice %arg7[%dma_start3A_352, %dma_start3A_353] : memref<100x128xf32, #tpu.memory_space<vmem_shared>> -> memref<100x128xf32, #tpu.memory_space<vmem_shared>>
        %dma_start3A_355 = tpu.memref_slice %arg8[%dma_start3A_344] : memref<4x!tpu.dma_semaphore, #tpu.memory_space<semaphore_mem>> -> memref<1x!tpu.dma_semaphore, #tpu.memory_space<semaphore_mem>>
        %dma_start3A_356 = tpu.memref_squeeze %dma_start3A_355 : memref<1x!tpu.dma_semaphore, #tpu.memory_space<semaphore_mem>> -> memref<!tpu.dma_semaphore, #tpu.memory_space<semaphore_mem>>
        tpu.enqueue_indirect_dma source(%dma_start3A_354 : memref<100x128xf32, #tpu.memory_space<vmem_shared>>) target(%dma_start3A_348 : memref<128x128xf32, #tpu.memory_space<vmem>>) offsets(%dma_start3A_351 : memref<128xi32, #tpu.memory_space<vmem>>) semaphore(%dma_start3A_356 : memref<!tpu.dma_semaphore, #tpu.memory_space<semaphore_mem>>)
      } else {
      }
      %mul3A_194 = arith.constant 1 : i32
      %mul3A_195 = arith.muli %add3A_186, %mul3A_194 : i32
      %add3A_196 = arith.constant 0 : i32
      %add3A_197 = arith.addi %mul3A_195, %add3A_196 : i32
      %dma_wait3A_198 = arith.constant 1 : i32
      %dma_wait3A_199 = arith.constant 1 : i32
      %dma_wait3A_200 = arith.constant 0 : i32
      %dma_wait3A_201 = arith.constant 0 : i32
      %dma_wait3A_202 = tpu.memref_slice %arg6[%dma_wait3A_198, %dma_wait3A_200, %dma_wait3A_201] : memref<4x128x128xf32, #tpu.memory_space<vmem>> -> memref<1x128x128xf32, #tpu.memory_space<vmem>>
      %dma_wait3A_203 = tpu.memref_squeeze %dma_wait3A_202 : memref<1x128x128xf32, #tpu.memory_space<vmem>> -> memref<128x128xf32, #tpu.memory_space<vmem>>
      %dma_wait3A_204 = arith.constant 0 : i32
      %dma_wait3A_205 = tpu.memref_slice %arg5[%add3A_197, %dma_wait3A_204] : memref<256x128xi32, #tpu.memory_space<vmem>> -> memref<1x128xi32, #tpu.memory_space<vmem>>
      %dma_wait3A_206 = tpu.memref_squeeze %dma_wait3A_205 : memref<1x128xi32, #tpu.memory_space<vmem>> -> memref<128xi32, #tpu.memory_space<vmem>>
      %dma_wait3A_207 = arith.constant 0 : i32
      %dma_wait3A_208 = arith.constant 0 : i32
      %dma_wait3A_209 = tpu.memref_slice %arg7[%dma_wait3A_207, %dma_wait3A_208] : memref<100x128xf32, #tpu.memory_space<vmem_shared>> -> memref<100x128xf32, #tpu.memory_space<vmem_shared>>
      %dma_wait3A_210 = tpu.memref_slice %arg8[%dma_wait3A_199] : memref<4x!tpu.dma_semaphore, #tpu.memory_space<semaphore_mem>> -> memref<1x!tpu.dma_semaphore, #tpu.memory_space<semaphore_mem>>
      %dma_wait3A_211 = tpu.memref_squeeze %dma_wait3A_210 : memref<1x!tpu.dma_semaphore, #tpu.memory_space<semaphore_mem>> -> memref<!tpu.dma_semaphore, #tpu.memory_space<semaphore_mem>>
      tpu.wait_indirect_dma semaphore(%dma_wait3A_211 : memref<!tpu.dma_semaphore, #tpu.memory_space<semaphore_mem>>) src(%dma_wait3A_209 : memref<100x128xf32, #tpu.memory_space<vmem_shared>>) dst(%dma_wait3A_203 : memref<128x128xf32, #tpu.memory_space<vmem>>)
      %mul3A_212 = arith.constant 1 : i32
      %mul3A_213 = arith.muli %add3A_186, %mul3A_212 : i32
      %add3A_214 = arith.addi %mul3A_2, %mul3A_213 : i32
      %mul3A_215 = arith.constant 128 : i32
      %mul3A_216 = arith.muli %add3A_214, %mul3A_215 : i32
      %dma_start3A_217 = arith.constant 1 : i32
      %dma_start3A_218 = arith.constant 1 : i32
      %dma_start3A_219 = arith.constant 0 : i32
      %dma_start3A_220 = arith.constant 0 : i32
      %dma_start3A_221 = tpu.memref_slice %arg6[%dma_start3A_217, %dma_start3A_219, %dma_start3A_220] : memref<4x128x128xf32, #tpu.memory_space<vmem>> -> memref<1x128x128xf32, #tpu.memory_space<vmem>>
      %dma_start3A_222 = tpu.memref_squeeze %dma_start3A_221 : memref<1x128x128xf32, #tpu.memory_space<vmem>> -> memref<128x128xf32, #tpu.memory_space<vmem>>
      %dma_start3A_223 = arith.constant 0 : i32
      %dma_start3A_224 = tpu.memref_slice %arg4[%mul3A_216, %dma_start3A_223] : memref<1048576x128xf32, #tpu.memory_space<hbm>> -> memref<128x128xf32, #tpu.memory_space<hbm>>
      %dma_start3A_225 = tpu.memref_slice %arg9[%dma_start3A_218] : memref<4x!tpu.dma_semaphore, #tpu.memory_space<semaphore_mem>> -> memref<1x!tpu.dma_semaphore, #tpu.memory_space<semaphore_mem>>
      %dma_start3A_226 = tpu.memref_squeeze %dma_start3A_225 : memref<1x!tpu.dma_semaphore, #tpu.memory_space<semaphore_mem>> -> memref<!tpu.dma_semaphore, #tpu.memory_space<semaphore_mem>>
      %dma_start3A_227 = arith.constant 0 : i32
      %dma_start3A_228 = tpu.memref_slice %arg4[%mul3A_216, %dma_start3A_227] : memref<1048576x128xf32, #tpu.memory_space<hbm>> -> memref<128x128xf32, #tpu.memory_space<hbm>>
      %dma_start3A_229 = arith.constant 0 : i32
      %dma_start3A_230 = arith.constant 0 : i32
      %dma_start3A_231 = tpu.memref_slice %arg6[%dma_start3A_217, %dma_start3A_229, %dma_start3A_230] : memref<4x128x128xf32, #tpu.memory_space<vmem>> -> memref<1x128x128xf32, #tpu.memory_space<vmem>>
      %dma_start3A_232 = tpu.memref_squeeze %dma_start3A_231 : memref<1x128x128xf32, #tpu.memory_space<vmem>> -> memref<128x128xf32, #tpu.memory_space<vmem>>
      tpu.enqueue_dma source(%dma_start3A_232 : memref<128x128xf32, #tpu.memory_space<vmem>>) target(%dma_start3A_228 : memref<128x128xf32, #tpu.memory_space<hbm>>) target_semaphore(%dma_start3A_226 : memref<!tpu.dma_semaphore, #tpu.memory_space<semaphore_mem>>)
      %mul3A_233 = arith.constant 4 : i32
      %mul3A_234 = arith.muli %mul3A_233, %scan3A_133 : i32
      %add3A_235 = arith.constant 2 : i32
      %add3A_236 = arith.addi %mul3A_234, %add3A_235 : i32
      %add3A_237 = arith.constant 3 : i32
      %add3A_238 = arith.addi %add3A_236, %add3A_237 : i32
      %lt3A_239 = arith.constant 256 : i32
      %lt3A_240 = arith.cmpi slt, %add3A_238, %lt3A_239 : i32
      %convert_element_type3A_241 = arith.extui %lt3A_240 : i1 to i32
      %cond3A_242 = arith.constant 0 : i32
      %cond3A_243 = arith.cmpi ne, %convert_element_type3A_241, %cond3A_242 : i32
      scf.if %cond3A_243 {
        %ge3A = arith.constant 1 : i32
        %ge3A_333 = arith.cmpi sge, %add3A_236, %ge3A : i32
        %convert_element_type3A_334 = arith.extui %ge3A_333 : i1 to i32
        %cond3A_335 = arith.constant 0 : i32
        %cond3A_336 = arith.cmpi ne, %convert_element_type3A_334, %cond3A_335 : i32
        scf.if %cond3A_336 {
          %mul3A_357 = arith.constant 1 : i32
          %mul3A_358 = arith.muli %add3A_236, %mul3A_357 : i32
          %add3A_359 = arith.addi %mul3A_2, %mul3A_358 : i32
          %mul3A_360 = arith.constant 128 : i32
          %mul3A_361 = arith.muli %add3A_359, %mul3A_360 : i32
          %dma_wait3A_362 = arith.constant 1 : i32
          %dma_wait3A_363 = arith.constant 1 : i32
          %dma_wait3A_364 = arith.constant 0 : i32
          %dma_wait3A_365 = arith.constant 0 : i32
          %dma_wait3A_366 = tpu.memref_slice %arg6[%dma_wait3A_362, %dma_wait3A_364, %dma_wait3A_365] : memref<4x128x128xf32, #tpu.memory_space<vmem>> -> memref<1x128x128xf32, #tpu.memory_space<vmem>>
          %dma_wait3A_367 = tpu.memref_squeeze %dma_wait3A_366 : memref<1x128x128xf32, #tpu.memory_space<vmem>> -> memref<128x128xf32, #tpu.memory_space<vmem>>
          %dma_wait3A_368 = arith.constant 0 : i32
          %dma_wait3A_369 = tpu.memref_slice %arg4[%mul3A_361, %dma_wait3A_368] : memref<1048576x128xf32, #tpu.memory_space<hbm>> -> memref<128x128xf32, #tpu.memory_space<hbm>>
          %dma_wait3A_370 = tpu.memref_slice %arg9[%dma_wait3A_363] : memref<4x!tpu.dma_semaphore, #tpu.memory_space<semaphore_mem>> -> memref<1x!tpu.dma_semaphore, #tpu.memory_space<semaphore_mem>>
          %dma_wait3A_371 = tpu.memref_squeeze %dma_wait3A_370 : memref<1x!tpu.dma_semaphore, #tpu.memory_space<semaphore_mem>> -> memref<!tpu.dma_semaphore, #tpu.memory_space<semaphore_mem>>
          %dma_wait3A_372 = arith.constant 0 : i32
          %dma_wait3A_373 = tpu.memref_slice %arg4[%mul3A_361, %dma_wait3A_372] : memref<1048576x128xf32, #tpu.memory_space<hbm>> -> memref<128x128xf32, #tpu.memory_space<hbm>>
          %dma_wait3A_374 = arith.constant 0 : i32
          %dma_wait3A_375 = arith.constant 0 : i32
          %dma_wait3A_376 = tpu.memref_slice %arg6[%dma_wait3A_362, %dma_wait3A_374, %dma_wait3A_375] : memref<4x128x128xf32, #tpu.memory_space<vmem>> -> memref<1x128x128xf32, #tpu.memory_space<vmem>>
          %dma_wait3A_377 = tpu.memref_squeeze %dma_wait3A_376 : memref<1x128x128xf32, #tpu.memory_space<vmem>> -> memref<128x128xf32, #tpu.memory_space<vmem>>
          tpu.wait_dma2 semaphore(%dma_wait3A_371 : memref<!tpu.dma_semaphore, #tpu.memory_space<semaphore_mem>>) src(%dma_wait3A_377 : memref<128x128xf32, #tpu.memory_space<vmem>>) dst(%dma_wait3A_373 : memref<128x128xf32, #tpu.memory_space<hbm>>)
        } else {
        }
        %add3A_337 = arith.constant 3 : i32
        %add3A_338 = arith.addi %add3A_236, %add3A_337 : i32
        %mul3A_339 = arith.constant 1 : i32
        %mul3A_340 = arith.muli %add3A_338, %mul3A_339 : i32
        %add3A_341 = arith.constant 0 : i32
        %add3A_342 = arith.addi %mul3A_340, %add3A_341 : i32
        %dma_start3A_343 = arith.constant 1 : i32
        %dma_start3A_344 = arith.constant 1 : i32
        %dma_start3A_345 = arith.constant 0 : i32
        %dma_start3A_346 = arith.constant 0 : i32
        %dma_start3A_347 = tpu.memref_slice %arg6[%dma_start3A_343, %dma_start3A_345, %dma_start3A_346] : memref<4x128x128xf32, #tpu.memory_space<vmem>> -> memref<1x128x128xf32, #tpu.memory_space<vmem>>
        %dma_start3A_348 = tpu.memref_squeeze %dma_start3A_347 : memref<1x128x128xf32, #tpu.memory_space<vmem>> -> memref<128x128xf32, #tpu.memory_space<vmem>>
        %dma_start3A_349 = arith.constant 0 : i32
        %dma_start3A_350 = tpu.memref_slice %arg5[%add3A_342, %dma_start3A_349] : memref<256x128xi32, #tpu.memory_space<vmem>> -> memref<1x128xi32, #tpu.memory_space<vmem>>
        %dma_start3A_351 = tpu.memref_squeeze %dma_start3A_350 : memref<1x128xi32, #tpu.memory_space<vmem>> -> memref<128xi32, #tpu.memory_space<vmem>>
        %dma_start3A_352 = arith.constant 0 : i32
        %dma_start3A_353 = arith.constant 0 : i32
        %dma_start3A_354 = tpu.memref_slice %arg7[%dma_start3A_352, %dma_start3A_353] : memref<100x128xf32, #tpu.memory_space<vmem_shared>> -> memref<100x128xf32, #tpu.memory_space<vmem_shared>>
        %dma_start3A_355 = tpu.memref_slice %arg8[%dma_start3A_344] : memref<4x!tpu.dma_semaphore, #tpu.memory_space<semaphore_mem>> -> memref<1x!tpu.dma_semaphore, #tpu.memory_space<semaphore_mem>>
        %dma_start3A_356 = tpu.memref_squeeze %dma_start3A_355 : memref<1x!tpu.dma_semaphore, #tpu.memory_space<semaphore_mem>> -> memref<!tpu.dma_semaphore, #tpu.memory_space<semaphore_mem>>
        tpu.enqueue_indirect_dma source(%dma_start3A_354 : memref<100x128xf32, #tpu.memory_space<vmem_shared>>) target(%dma_start3A_348 : memref<128x128xf32, #tpu.memory_space<vmem>>) offsets(%dma_start3A_351 : memref<128xi32, #tpu.memory_space<vmem>>) semaphore(%dma_start3A_356 : memref<!tpu.dma_semaphore, #tpu.memory_space<semaphore_mem>>)
      } else {
      }
      %mul3A_244 = arith.constant 1 : i32
      %mul3A_245 = arith.muli %add3A_236, %mul3A_244 : i32
      %add3A_246 = arith.constant 0 : i32
      %add3A_247 = arith.addi %mul3A_245, %add3A_246 : i32
      %dma_wait3A_248 = arith.constant 2 : i32
      %dma_wait3A_249 = arith.constant 2 : i32
      %dma_wait3A_250 = arith.constant 0 : i32
      %dma_wait3A_251 = arith.constant 0 : i32
      %dma_wait3A_252 = tpu.memref_slice %arg6[%dma_wait3A_248, %dma_wait3A_250, %dma_wait3A_251] : memref<4x128x128xf32, #tpu.memory_space<vmem>> -> memref<1x128x128xf32, #tpu.memory_space<vmem>>
      %dma_wait3A_253 = tpu.memref_squeeze %dma_wait3A_252 : memref<1x128x128xf32, #tpu.memory_space<vmem>> -> memref<128x128xf32, #tpu.memory_space<vmem>>
      %dma_wait3A_254 = arith.constant 0 : i32
      %dma_wait3A_255 = tpu.memref_slice %arg5[%add3A_247, %dma_wait3A_254] : memref<256x128xi32, #tpu.memory_space<vmem>> -> memref<1x128xi32, #tpu.memory_space<vmem>>
      %dma_wait3A_256 = tpu.memref_squeeze %dma_wait3A_255 : memref<1x128xi32, #tpu.memory_space<vmem>> -> memref<128xi32, #tpu.memory_space<vmem>>
      %dma_wait3A_257 = arith.constant 0 : i32
      %dma_wait3A_258 = arith.constant 0 : i32
      %dma_wait3A_259 = tpu.memref_slice %arg7[%dma_wait3A_257, %dma_wait3A_258] : memref<100x128xf32, #tpu.memory_space<vmem_shared>> -> memref<100x128xf32, #tpu.memory_space<vmem_shared>>
      %dma_wait3A_260 = tpu.memref_slice %arg8[%dma_wait3A_249] : memref<4x!tpu.dma_semaphore, #tpu.memory_space<semaphore_mem>> -> memref<1x!tpu.dma_semaphore, #tpu.memory_space<semaphore_mem>>
      %dma_wait3A_261 = tpu.memref_squeeze %dma_wait3A_260 : memref<1x!tpu.dma_semaphore, #tpu.memory_space<semaphore_mem>> -> memref<!tpu.dma_semaphore, #tpu.memory_space<semaphore_mem>>
      tpu.wait_indirect_dma semaphore(%dma_wait3A_261 : memref<!tpu.dma_semaphore, #tpu.memory_space<semaphore_mem>>) src(%dma_wait3A_259 : memref<100x128xf32, #tpu.memory_space<vmem_shared>>) dst(%dma_wait3A_253 : memref<128x128xf32, #tpu.memory_space<vmem>>)
      %mul3A_262 = arith.constant 1 : i32
      %mul3A_263 = arith.muli %add3A_236, %mul3A_262 : i32
      %add3A_264 = arith.addi %mul3A_2, %mul3A_263 : i32
      %mul3A_265 = arith.constant 128 : i32
      %mul3A_266 = arith.muli %add3A_264, %mul3A_265 : i32
      %dma_start3A_267 = arith.constant 2 : i32
      %dma_start3A_268 = arith.constant 2 : i32
      %dma_start3A_269 = arith.constant 0 : i32
      %dma_start3A_270 = arith.constant 0 : i32
      %dma_start3A_271 = tpu.memref_slice %arg6[%dma_start3A_267, %dma_start3A_269, %dma_start3A_270] : memref<4x128x128xf32, #tpu.memory_space<vmem>> -> memref<1x128x128xf32, #tpu.memory_space<vmem>>
      %dma_start3A_272 = tpu.memref_squeeze %dma_start3A_271 : memref<1x128x128xf32, #tpu.memory_space<vmem>> -> memref<128x128xf32, #tpu.memory_space<vmem>>
      %dma_start3A_273 = arith.constant 0 : i32
      %dma_start3A_274 = tpu.memref_slice %arg4[%mul3A_266, %dma_start3A_273] : memref<1048576x128xf32, #tpu.memory_space<hbm>> -> memref<128x128xf32, #tpu.memory_space<hbm>>
      %dma_start3A_275 = tpu.memref_slice %arg9[%dma_start3A_268] : memref<4x!tpu.dma_semaphore, #tpu.memory_space<semaphore_mem>> -> memref<1x!tpu.dma_semaphore, #tpu.memory_space<semaphore_mem>>
      %dma_start3A_276 = tpu.memref_squeeze %dma_start3A_275 : memref<1x!tpu.dma_semaphore, #tpu.memory_space<semaphore_mem>> -> memref<!tpu.dma_semaphore, #tpu.memory_space<semaphore_mem>>
      %dma_start3A_277 = arith.constant 0 : i32
      %dma_start3A_278 = tpu.memref_slice %arg4[%mul3A_266, %dma_start3A_277] : memref<1048576x128xf32, #tpu.memory_space<hbm>> -> memref<128x128xf32, #tpu.memory_space<hbm>>
      %dma_start3A_279 = arith.constant 0 : i32
      %dma_start3A_280 = arith.constant 0 : i32
      %dma_start3A_281 = tpu.memref_slice %arg6[%dma_start3A_267, %dma_start3A_279, %dma_start3A_280] : memref<4x128x128xf32, #tpu.memory_space<vmem>> -> memref<1x128x128xf32, #tpu.memory_space<vmem>>
      %dma_start3A_282 = tpu.memref_squeeze %dma_start3A_281 : memref<1x128x128xf32, #tpu.memory_space<vmem>> -> memref<128x128xf32, #tpu.memory_space<vmem>>
      tpu.enqueue_dma source(%dma_start3A_282 : memref<128x128xf32, #tpu.memory_space<vmem>>) target(%dma_start3A_278 : memref<128x128xf32, #tpu.memory_space<hbm>>) target_semaphore(%dma_start3A_276 : memref<!tpu.dma_semaphore, #tpu.memory_space<semaphore_mem>>)
      %mul3A_283 = arith.constant 4 : i32
      %mul3A_284 = arith.muli %mul3A_283, %scan3A_133 : i32
      %add3A_285 = arith.constant 3 : i32
      %add3A_286 = arith.addi %mul3A_284, %add3A_285 : i32
      %add3A_287 = arith.constant 3 : i32
      %add3A_288 = arith.addi %add3A_286, %add3A_287 : i32
      %lt3A_289 = arith.constant 256 : i32
      %lt3A_290 = arith.cmpi slt, %add3A_288, %lt3A_289 : i32
      %convert_element_type3A_291 = arith.extui %lt3A_290 : i1 to i32
      %cond3A_292 = arith.constant 0 : i32
      %cond3A_293 = arith.cmpi ne, %convert_element_type3A_291, %cond3A_292 : i32
      scf.if %cond3A_293 {
        %ge3A = arith.constant 1 : i32
        %ge3A_333 = arith.cmpi sge, %add3A_286, %ge3A : i32
        %convert_element_type3A_334 = arith.extui %ge3A_333 : i1 to i32
        %cond3A_335 = arith.constant 0 : i32
        %cond3A_336 = arith.cmpi ne, %convert_element_type3A_334, %cond3A_335 : i32
        scf.if %cond3A_336 {
          %mul3A_357 = arith.constant 1 : i32
          %mul3A_358 = arith.muli %add3A_286, %mul3A_357 : i32
          %add3A_359 = arith.addi %mul3A_2, %mul3A_358 : i32
          %mul3A_360 = arith.constant 128 : i32
          %mul3A_361 = arith.muli %add3A_359, %mul3A_360 : i32
          %dma_wait3A_362 = arith.constant 2 : i32
          %dma_wait3A_363 = arith.constant 2 : i32
          %dma_wait3A_364 = arith.constant 0 : i32
          %dma_wait3A_365 = arith.constant 0 : i32
          %dma_wait3A_366 = tpu.memref_slice %arg6[%dma_wait3A_362, %dma_wait3A_364, %dma_wait3A_365] : memref<4x128x128xf32, #tpu.memory_space<vmem>> -> memref<1x128x128xf32, #tpu.memory_space<vmem>>
          %dma_wait3A_367 = tpu.memref_squeeze %dma_wait3A_366 : memref<1x128x128xf32, #tpu.memory_space<vmem>> -> memref<128x128xf32, #tpu.memory_space<vmem>>
          %dma_wait3A_368 = arith.constant 0 : i32
          %dma_wait3A_369 = tpu.memref_slice %arg4[%mul3A_361, %dma_wait3A_368] : memref<1048576x128xf32, #tpu.memory_space<hbm>> -> memref<128x128xf32, #tpu.memory_space<hbm>>
          %dma_wait3A_370 = tpu.memref_slice %arg9[%dma_wait3A_363] : memref<4x!tpu.dma_semaphore, #tpu.memory_space<semaphore_mem>> -> memref<1x!tpu.dma_semaphore, #tpu.memory_space<semaphore_mem>>
          %dma_wait3A_371 = tpu.memref_squeeze %dma_wait3A_370 : memref<1x!tpu.dma_semaphore, #tpu.memory_space<semaphore_mem>> -> memref<!tpu.dma_semaphore, #tpu.memory_space<semaphore_mem>>
          %dma_wait3A_372 = arith.constant 0 : i32
          %dma_wait3A_373 = tpu.memref_slice %arg4[%mul3A_361, %dma_wait3A_372] : memref<1048576x128xf32, #tpu.memory_space<hbm>> -> memref<128x128xf32, #tpu.memory_space<hbm>>
          %dma_wait3A_374 = arith.constant 0 : i32
          %dma_wait3A_375 = arith.constant 0 : i32
          %dma_wait3A_376 = tpu.memref_slice %arg6[%dma_wait3A_362, %dma_wait3A_374, %dma_wait3A_375] : memref<4x128x128xf32, #tpu.memory_space<vmem>> -> memref<1x128x128xf32, #tpu.memory_space<vmem>>
          %dma_wait3A_377 = tpu.memref_squeeze %dma_wait3A_376 : memref<1x128x128xf32, #tpu.memory_space<vmem>> -> memref<128x128xf32, #tpu.memory_space<vmem>>
          tpu.wait_dma2 semaphore(%dma_wait3A_371 : memref<!tpu.dma_semaphore, #tpu.memory_space<semaphore_mem>>) src(%dma_wait3A_377 : memref<128x128xf32, #tpu.memory_space<vmem>>) dst(%dma_wait3A_373 : memref<128x128xf32, #tpu.memory_space<hbm>>)
        } else {
        }
        %add3A_337 = arith.constant 3 : i32
        %add3A_338 = arith.addi %add3A_286, %add3A_337 : i32
        %mul3A_339 = arith.constant 1 : i32
        %mul3A_340 = arith.muli %add3A_338, %mul3A_339 : i32
        %add3A_341 = arith.constant 0 : i32
        %add3A_342 = arith.addi %mul3A_340, %add3A_341 : i32
        %dma_start3A_343 = arith.constant 2 : i32
        %dma_start3A_344 = arith.constant 2 : i32
        %dma_start3A_345 = arith.constant 0 : i32
        %dma_start3A_346 = arith.constant 0 : i32
        %dma_start3A_347 = tpu.memref_slice %arg6[%dma_start3A_343, %dma_start3A_345, %dma_start3A_346] : memref<4x128x128xf32, #tpu.memory_space<vmem>> -> memref<1x128x128xf32, #tpu.memory_space<vmem>>
        %dma_start3A_348 = tpu.memref_squeeze %dma_start3A_347 : memref<1x128x128xf32, #tpu.memory_space<vmem>> -> memref<128x128xf32, #tpu.memory_space<vmem>>
        %dma_start3A_349 = arith.constant 0 : i32
        %dma_start3A_350 = tpu.memref_slice %arg5[%add3A_342, %dma_start3A_349] : memref<256x128xi32, #tpu.memory_space<vmem>> -> memref<1x128xi32, #tpu.memory_space<vmem>>
        %dma_start3A_351 = tpu.memref_squeeze %dma_start3A_350 : memref<1x128xi32, #tpu.memory_space<vmem>> -> memref<128xi32, #tpu.memory_space<vmem>>
        %dma_start3A_352 = arith.constant 0 : i32
        %dma_start3A_353 = arith.constant 0 : i32
        %dma_start3A_354 = tpu.memref_slice %arg7[%dma_start3A_352, %dma_start3A_353] : memref<100x128xf32, #tpu.memory_space<vmem_shared>> -> memref<100x128xf32, #tpu.memory_space<vmem_shared>>
        %dma_start3A_355 = tpu.memref_slice %arg8[%dma_start3A_344] : memref<4x!tpu.dma_semaphore, #tpu.memory_space<semaphore_mem>> -> memref<1x!tpu.dma_semaphore, #tpu.memory_space<semaphore_mem>>
        %dma_start3A_356 = tpu.memref_squeeze %dma_start3A_355 : memref<1x!tpu.dma_semaphore, #tpu.memory_space<semaphore_mem>> -> memref<!tpu.dma_semaphore, #tpu.memory_space<semaphore_mem>>
        tpu.enqueue_indirect_dma source(%dma_start3A_354 : memref<100x128xf32, #tpu.memory_space<vmem_shared>>) target(%dma_start3A_348 : memref<128x128xf32, #tpu.memory_space<vmem>>) offsets(%dma_start3A_351 : memref<128xi32, #tpu.memory_space<vmem>>) semaphore(%dma_start3A_356 : memref<!tpu.dma_semaphore, #tpu.memory_space<semaphore_mem>>)
      } else {
      }
      %mul3A_294 = arith.constant 1 : i32
      %mul3A_295 = arith.muli %add3A_286, %mul3A_294 : i32
      %add3A_296 = arith.constant 0 : i32
      %add3A_297 = arith.addi %mul3A_295, %add3A_296 : i32
      %dma_wait3A_298 = arith.constant 3 : i32
      %dma_wait3A_299 = arith.constant 3 : i32
      %dma_wait3A_300 = arith.constant 0 : i32
      %dma_wait3A_301 = arith.constant 0 : i32
      %dma_wait3A_302 = tpu.memref_slice %arg6[%dma_wait3A_298, %dma_wait3A_300, %dma_wait3A_301] : memref<4x128x128xf32, #tpu.memory_space<vmem>> -> memref<1x128x128xf32, #tpu.memory_space<vmem>>
      %dma_wait3A_303 = tpu.memref_squeeze %dma_wait3A_302 : memref<1x128x128xf32, #tpu.memory_space<vmem>> -> memref<128x128xf32, #tpu.memory_space<vmem>>
      %dma_wait3A_304 = arith.constant 0 : i32
      %dma_wait3A_305 = tpu.memref_slice %arg5[%add3A_297, %dma_wait3A_304] : memref<256x128xi32, #tpu.memory_space<vmem>> -> memref<1x128xi32, #tpu.memory_space<vmem>>
      %dma_wait3A_306 = tpu.memref_squeeze %dma_wait3A_305 : memref<1x128xi32, #tpu.memory_space<vmem>> -> memref<128xi32, #tpu.memory_space<vmem>>
      %dma_wait3A_307 = arith.constant 0 : i32
      %dma_wait3A_308 = arith.constant 0 : i32
      %dma_wait3A_309 = tpu.memref_slice %arg7[%dma_wait3A_307, %dma_wait3A_308] : memref<100x128xf32, #tpu.memory_space<vmem_shared>> -> memref<100x128xf32, #tpu.memory_space<vmem_shared>>
      %dma_wait3A_310 = tpu.memref_slice %arg8[%dma_wait3A_299] : memref<4x!tpu.dma_semaphore, #tpu.memory_space<semaphore_mem>> -> memref<1x!tpu.dma_semaphore, #tpu.memory_space<semaphore_mem>>
      %dma_wait3A_311 = tpu.memref_squeeze %dma_wait3A_310 : memref<1x!tpu.dma_semaphore, #tpu.memory_space<semaphore_mem>> -> memref<!tpu.dma_semaphore, #tpu.memory_space<semaphore_mem>>
      tpu.wait_indirect_dma semaphore(%dma_wait3A_311 : memref<!tpu.dma_semaphore, #tpu.memory_space<semaphore_mem>>) src(%dma_wait3A_309 : memref<100x128xf32, #tpu.memory_space<vmem_shared>>) dst(%dma_wait3A_303 : memref<128x128xf32, #tpu.memory_space<vmem>>)
      %mul3A_312 = arith.constant 1 : i32
      %mul3A_313 = arith.muli %add3A_286, %mul3A_312 : i32
      %add3A_314 = arith.addi %mul3A_2, %mul3A_313 : i32
      %mul3A_315 = arith.constant 128 : i32
      %mul3A_316 = arith.muli %add3A_314, %mul3A_315 : i32
      %dma_start3A_317 = arith.constant 3 : i32
      %dma_start3A_318 = arith.constant 3 : i32
      %dma_start3A_319 = arith.constant 0 : i32
      %dma_start3A_320 = arith.constant 0 : i32
      %dma_start3A_321 = tpu.memref_slice %arg6[%dma_start3A_317, %dma_start3A_319, %dma_start3A_320] : memref<4x128x128xf32, #tpu.memory_space<vmem>> -> memref<1x128x128xf32, #tpu.memory_space<vmem>>
      %dma_start3A_322 = tpu.memref_squeeze %dma_start3A_321 : memref<1x128x128xf32, #tpu.memory_space<vmem>> -> memref<128x128xf32, #tpu.memory_space<vmem>>
      %dma_start3A_323 = arith.constant 0 : i32
      %dma_start3A_324 = tpu.memref_slice %arg4[%mul3A_316, %dma_start3A_323] : memref<1048576x128xf32, #tpu.memory_space<hbm>> -> memref<128x128xf32, #tpu.memory_space<hbm>>
      %dma_start3A_325 = tpu.memref_slice %arg9[%dma_start3A_318] : memref<4x!tpu.dma_semaphore, #tpu.memory_space<semaphore_mem>> -> memref<1x!tpu.dma_semaphore, #tpu.memory_space<semaphore_mem>>
      %dma_start3A_326 = tpu.memref_squeeze %dma_start3A_325 : memref<1x!tpu.dma_semaphore, #tpu.memory_space<semaphore_mem>> -> memref<!tpu.dma_semaphore, #tpu.memory_space<semaphore_mem>>
      %dma_start3A_327 = arith.constant 0 : i32
      %dma_start3A_328 = tpu.memref_slice %arg4[%mul3A_316, %dma_start3A_327] : memref<1048576x128xf32, #tpu.memory_space<hbm>> -> memref<128x128xf32, #tpu.memory_space<hbm>>
      %dma_start3A_329 = arith.constant 0 : i32
      %dma_start3A_330 = arith.constant 0 : i32
      %dma_start3A_331 = tpu.memref_slice %arg6[%dma_start3A_317, %dma_start3A_329, %dma_start3A_330] : memref<4x128x128xf32, #tpu.memory_space<vmem>> -> memref<1x128x128xf32, #tpu.memory_space<vmem>>
      %dma_start3A_332 = tpu.memref_squeeze %dma_start3A_331 : memref<1x128x128xf32, #tpu.memory_space<vmem>> -> memref<128x128xf32, #tpu.memory_space<vmem>>
      tpu.enqueue_dma source(%dma_start3A_332 : memref<128x128xf32, #tpu.memory_space<vmem>>) target(%dma_start3A_328 : memref<128x128xf32, #tpu.memory_space<hbm>>) target_semaphore(%dma_start3A_326 : memref<!tpu.dma_semaphore, #tpu.memory_space<semaphore_mem>>)
    }
    %scan3A_53 = arith.constant 64 : i32
    %add3A_54 = arith.constant 0 : i32
    %add3A_55 = arith.addi %mul3A_2, %add3A_54 : i32
    %mul3A_56 = arith.constant 128 : i32
    %mul3A_57 = arith.muli %add3A_55, %mul3A_56 : i32
    %dma_wait3A = arith.constant 0 : i32
    %dma_wait3A_58 = arith.constant 0 : i32
    %dma_wait3A_59 = arith.constant 0 : i32
    %dma_wait3A_60 = arith.constant 0 : i32
    %dma_wait3A_61 = tpu.memref_slice %arg6[%dma_wait3A, %dma_wait3A_59, %dma_wait3A_60] : memref<4x128x128xf32, #tpu.memory_space<vmem>> -> memref<1x128x128xf32, #tpu.memory_space<vmem>>
    %dma_wait3A_62 = tpu.memref_squeeze %dma_wait3A_61 : memref<1x128x128xf32, #tpu.memory_space<vmem>> -> memref<128x128xf32, #tpu.memory_space<vmem>>
    %dma_wait3A_63 = arith.constant 0 : i32
    %dma_wait3A_64 = tpu.memref_slice %arg4[%mul3A_57, %dma_wait3A_63] : memref<1048576x128xf32, #tpu.memory_space<hbm>> -> memref<128x128xf32, #tpu.memory_space<hbm>>
    %dma_wait3A_65 = tpu.memref_slice %arg9[%dma_wait3A_58] : memref<4x!tpu.dma_semaphore, #tpu.memory_space<semaphore_mem>> -> memref<1x!tpu.dma_semaphore, #tpu.memory_space<semaphore_mem>>
    %dma_wait3A_66 = tpu.memref_squeeze %dma_wait3A_65 : memref<1x!tpu.dma_semaphore, #tpu.memory_space<semaphore_mem>> -> memref<!tpu.dma_semaphore, #tpu.memory_space<semaphore_mem>>
    %dma_wait3A_67 = arith.constant 0 : i32
    %dma_wait3A_68 = tpu.memref_slice %arg4[%mul3A_57, %dma_wait3A_67] : memref<1048576x128xf32, #tpu.memory_space<hbm>> -> memref<128x128xf32, #tpu.memory_space<hbm>>
    %dma_wait3A_69 = arith.constant 0 : i32
    %dma_wait3A_70 = arith.constant 0 : i32
    %dma_wait3A_71 = tpu.memref_slice %arg6[%dma_wait3A, %dma_wait3A_69, %dma_wait3A_70] : memref<4x128x128xf32, #tpu.memory_space<vmem>> -> memref<1x128x128xf32, #tpu.memory_space<vmem>>
    %dma_wait3A_72 = tpu.memref_squeeze %dma_wait3A_71 : memref<1x128x128xf32, #tpu.memory_space<vmem>> -> memref<128x128xf32, #tpu.memory_space<vmem>>
    tpu.wait_dma2 semaphore(%dma_wait3A_66 : memref<!tpu.dma_semaphore, #tpu.memory_space<semaphore_mem>>) src(%dma_wait3A_72 : memref<128x128xf32, #tpu.memory_space<vmem>>) dst(%dma_wait3A_68 : memref<128x128xf32, #tpu.memory_space<hbm>>)
    %add3A_73 = arith.constant 0 : i32
    %add3A_74 = arith.addi %mul3A_2, %add3A_73 : i32
    %mul3A_75 = arith.constant 128 : i32
    %mul3A_76 = arith.muli %add3A_74, %mul3A_75 : i32
    %dma_wait3A_77 = arith.constant 1 : i32
    %dma_wait3A_78 = arith.constant 1 : i32
    %dma_wait3A_79 = arith.constant 0 : i32
    %dma_wait3A_80 = arith.constant 0 : i32
    %dma_wait3A_81 = tpu.memref_slice %arg6[%dma_wait3A_77, %dma_wait3A_79, %dma_wait3A_80] : memref<4x128x128xf32, #tpu.memory_space<vmem>> -> memref<1x128x128xf32, #tpu.memory_space<vmem>>
    %dma_wait3A_82 = tpu.memref_squeeze %dma_wait3A_81 : memref<1x128x128xf32, #tpu.memory_space<vmem>> -> memref<128x128xf32, #tpu.memory_space<vmem>>
    %dma_wait3A_83 = arith.constant 0 : i32
    %dma_wait3A_84 = tpu.memref_slice %arg4[%mul3A_76, %dma_wait3A_83] : memref<1048576x128xf32, #tpu.memory_space<hbm>> -> memref<128x128xf32, #tpu.memory_space<hbm>>
    %dma_wait3A_85 = tpu.memref_slice %arg9[%dma_wait3A_78] : memref<4x!tpu.dma_semaphore, #tpu.memory_space<semaphore_mem>> -> memref<1x!tpu.dma_semaphore, #tpu.memory_space<semaphore_mem>>
    %dma_wait3A_86 = tpu.memref_squeeze %dma_wait3A_85 : memref<1x!tpu.dma_semaphore, #tpu.memory_space<semaphore_mem>> -> memref<!tpu.dma_semaphore, #tpu.memory_space<semaphore_mem>>
    %dma_wait3A_87 = arith.constant 0 : i32
    %dma_wait3A_88 = tpu.memref_slice %arg4[%mul3A_76, %dma_wait3A_87] : memref<1048576x128xf32, #tpu.memory_space<hbm>> -> memref<128x128xf32, #tpu.memory_space<hbm>>
    %dma_wait3A_89 = arith.constant 0 : i32
    %dma_wait3A_90 = arith.constant 0 : i32
    %dma_wait3A_91 = tpu.memref_slice %arg6[%dma_wait3A_77, %dma_wait3A_89, %dma_wait3A_90] : memref<4x128x128xf32, #tpu.memory_space<vmem>> -> memref<1x128x128xf32, #tpu.memory_space<vmem>>
    %dma_wait3A_92 = tpu.memref_squeeze %dma_wait3A_91 : memref<1x128x128xf32, #tpu.memory_space<vmem>> -> memref<128x128xf32, #tpu.memory_space<vmem>>
    tpu.wait_dma2 semaphore(%dma_wait3A_86 : memref<!tpu.dma_semaphore, #tpu.memory_space<semaphore_mem>>) src(%dma_wait3A_92 : memref<128x128xf32, #tpu.memory_space<vmem>>) dst(%dma_wait3A_88 : memref<128x128xf32, #tpu.memory_space<hbm>>)
    %add3A_93 = arith.constant 0 : i32
    %add3A_94 = arith.addi %mul3A_2, %add3A_93 : i32
    %mul3A_95 = arith.constant 128 : i32
    %mul3A_96 = arith.muli %add3A_94, %mul3A_95 : i32
    %dma_wait3A_97 = arith.constant 2 : i32
    %dma_wait3A_98 = arith.constant 2 : i32
    %dma_wait3A_99 = arith.constant 0 : i32
    %dma_wait3A_100 = arith.constant 0 : i32
    %dma_wait3A_101 = tpu.memref_slice %arg6[%dma_wait3A_97, %dma_wait3A_99, %dma_wait3A_100] : memref<4x128x128xf32, #tpu.memory_space<vmem>> -> memref<1x128x128xf32, #tpu.memory_space<vmem>>
    %dma_wait3A_102 = tpu.memref_squeeze %dma_wait3A_101 : memref<1x128x128xf32, #tpu.memory_space<vmem>> -> memref<128x128xf32, #tpu.memory_space<vmem>>
    %dma_wait3A_103 = arith.constant 0 : i32
    %dma_wait3A_104 = tpu.memref_slice %arg4[%mul3A_96, %dma_wait3A_103] : memref<1048576x128xf32, #tpu.memory_space<hbm>> -> memref<128x128xf32, #tpu.memory_space<hbm>>
    %dma_wait3A_105 = tpu.memref_slice %arg9[%dma_wait3A_98] : memref<4x!tpu.dma_semaphore, #tpu.memory_space<semaphore_mem>> -> memref<1x!tpu.dma_semaphore, #tpu.memory_space<semaphore_mem>>
    %dma_wait3A_106 = tpu.memref_squeeze %dma_wait3A_105 : memref<1x!tpu.dma_semaphore, #tpu.memory_space<semaphore_mem>> -> memref<!tpu.dma_semaphore, #tpu.memory_space<semaphore_mem>>
    %dma_wait3A_107 = arith.constant 0 : i32
    %dma_wait3A_108 = tpu.memref_slice %arg4[%mul3A_96, %dma_wait3A_107] : memref<1048576x128xf32, #tpu.memory_space<hbm>> -> memref<128x128xf32, #tpu.memory_space<hbm>>
    %dma_wait3A_109 = arith.constant 0 : i32
    %dma_wait3A_110 = arith.constant 0 : i32
    %dma_wait3A_111 = tpu.memref_slice %arg6[%dma_wait3A_97, %dma_wait3A_109, %dma_wait3A_110] : memref<4x128x128xf32, #tpu.memory_space<vmem>> -> memref<1x128x128xf32, #tpu.memory_space<vmem>>
    %dma_wait3A_112 = tpu.memref_squeeze %dma_wait3A_111 : memref<1x128x128xf32, #tpu.memory_space<vmem>> -> memref<128x128xf32, #tpu.memory_space<vmem>>
    tpu.wait_dma2 semaphore(%dma_wait3A_106 : memref<!tpu.dma_semaphore, #tpu.memory_space<semaphore_mem>>) src(%dma_wait3A_112 : memref<128x128xf32, #tpu.memory_space<vmem>>) dst(%dma_wait3A_108 : memref<128x128xf32, #tpu.memory_space<hbm>>)
    %add3A_113 = arith.constant 0 : i32
    %add3A_114 = arith.addi %mul3A_2, %add3A_113 : i32
    %mul3A_115 = arith.constant 128 : i32
    %mul3A_116 = arith.muli %add3A_114, %mul3A_115 : i32
    %dma_wait3A_117 = arith.constant 3 : i32
    %dma_wait3A_118 = arith.constant 3 : i32
    %dma_wait3A_119 = arith.constant 0 : i32
    %dma_wait3A_120 = arith.constant 0 : i32
    %dma_wait3A_121 = tpu.memref_slice %arg6[%dma_wait3A_117, %dma_wait3A_119, %dma_wait3A_120] : memref<4x128x128xf32, #tpu.memory_space<vmem>> -> memref<1x128x128xf32, #tpu.memory_space<vmem>>
    %dma_wait3A_122 = tpu.memref_squeeze %dma_wait3A_121 : memref<1x128x128xf32, #tpu.memory_space<vmem>> -> memref<128x128xf32, #tpu.memory_space<vmem>>
    %dma_wait3A_123 = arith.constant 0 : i32
    %dma_wait3A_124 = tpu.memref_slice %arg4[%mul3A_116, %dma_wait3A_123] : memref<1048576x128xf32, #tpu.memory_space<hbm>> -> memref<128x128xf32, #tpu.memory_space<hbm>>
    %dma_wait3A_125 = tpu.memref_slice %arg9[%dma_wait3A_118] : memref<4x!tpu.dma_semaphore, #tpu.memory_space<semaphore_mem>> -> memref<1x!tpu.dma_semaphore, #tpu.memory_space<semaphore_mem>>
    %dma_wait3A_126 = tpu.memref_squeeze %dma_wait3A_125 : memref<1x!tpu.dma_semaphore, #tpu.memory_space<semaphore_mem>> -> memref<!tpu.dma_semaphore, #tpu.memory_space<semaphore_mem>>
    %dma_wait3A_127 = arith.constant 0 : i32
    %dma_wait3A_128 = tpu.memref_slice %arg4[%mul3A_116, %dma_wait3A_127] : memref<1048576x128xf32, #tpu.memory_space<hbm>> -> memref<128x128xf32, #tpu.memory_space<hbm>>
    %dma_wait3A_129 = arith.constant 0 : i32
    %dma_wait3A_130 = arith.constant 0 : i32
    %dma_wait3A_131 = tpu.memref_slice %arg6[%dma_wait3A_117, %dma_wait3A_129, %dma_wait3A_130] : memref<4x128x128xf32, #tpu.memory_space<vmem>> -> memref<1x128x128xf32, #tpu.memory_space<vmem>>
    %dma_wait3A_132 = tpu.memref_squeeze %dma_wait3A_131 : memref<1x128x128xf32, #tpu.memory_space<vmem>> -> memref<128x128xf32, #tpu.memory_space<vmem>>
    tpu.wait_dma2 semaphore(%dma_wait3A_126 : memref<!tpu.dma_semaphore, #tpu.memory_space<semaphore_mem>>) src(%dma_wait3A_132 : memref<128x128xf32, #tpu.memory_space<vmem>>) dst(%dma_wait3A_128 : memref<128x128xf32, #tpu.memory_space<hbm>>)
    return
  }
}

</mosaic_0001>

<sc_bundles>
// kernel: kernel.3.cloned.1.call-start
scs
__scs_entry_jumppad:
0x0: {  	(pc) =	sbr.rel $0x88, $3  }
0x1: {  	(tag) =	ssettag $0x0;
	lr =	simm.s32 $0x1  }
0x2: {  	[smem:$0x3F9F] =	sst lr;
	_ =	strace $0xD0000000  }
0x3: {  	_ = 	snop  }
0x4: {  	_ = 	snop  }
0x5: {  	_ = 	snop  }
0x6: {  	_ = 	snop  }
0x7: {  	_ = 	snop  }
__scs_overlays_trampoline_lowered:
0x8: {  	[smem:$0x3FAE] =	sst s0  }
0x9: {  	[smem:$0x3FAF] =	sst s1  }
0xa: {  	[smem:$0x3FB0] =	sst s2  }
0xb: {  	[smem:$0x3FB1] =	sst s3  }
0xc: {  	[smem:$0x3FB2] =	sst s4  }
0xd: {  	[smem:$0x3FB3] =	sst s5  }
0xe: {  	[smem:$0x3FB4] =	sst s6  }
0xf: {  	[smem:$0x3FB5] =	sst s7  }
0x10: {  	[smem:$0x3FB6] =	sst s8  }
0x11: {  	[smem:$0x3FB7] =	sst s9;
	s0 =	simm.s32 @!p0 $0x0  }
0x12: {  	s1 =	sld [smem:$0x3F9D];
	s0 =	simm.s32 @p0 $0x1  }
0x13: {  	[smem:$0x3FB8] =	sst s0;
	s0 =	simm.s32 @!p1 $0x0  }
0x14: {  	s2 =	sld [smem:$0x3F9C];
	s0 =	simm.s32 @p1 $0x1  }
0x15: {  	[smem:$0x3FB9] =	sst s0;
	s0 =	simm.s32 @!p2 $0x0  }
0x16: {  	s3 =	sld [smem:$0x3FDB];
	s0 =	simm.s32 @p2 $0x1  }
0x17: {  	s4 =	simm.s32 $0x1BF5;
	[smem:$0x3FBB] =	sst s0  }
0x18: {  	s0 =	sld [smem:$0x3F9E];
	_ =	swait.ge [sflag:s4], $0x0  }
0x19: {  	s7 =	sld [smem:$0x3F9F]  }
0x1a: {  	s8 =	sadd.s32 $0xFFFFE003, lr  }
0x1b: {  	s9 =	sadd.s32 $0xFFFFFEF7, lr;
	s5 =	simm.s32 $0xFFFFFFFF;
	p2 =	slt.u32 s8, $0xFFFFF086  }
0x1c: {  	p1 =	slt.u32 s9, $0xF7A;
	s5 =	simm.s32 @!p2 $0x0  }
0x1d: {  	s5 =	simm.s32 @p1 $0x1;
	p0 =	seq.s32 s7, s2  }
0x1e: {  	s7 =	smul.u32 @!p0 $0xF7A, s2;
	p2 =	seq.s32 @!p0 s5, $0x0  }
0x1f: {  	s9 =	smul.u32 $0xF7A, s1;
	s8 =	simm.s32 @!p0 $0x1BF5;
	p2 =	por !p2, p0  }
0x20: {  	[sflag:s8] =	ssyncset.s32 @!p0 $0xFFFFF086;
	s6 =	sadd.s32 @!p0 s3, s7;
	s7 =	simm.s32 @!p0 $0x108  }
0x21: {  	s3 =	sadd.s32 s3, s9;
	s6 =	sadd.s32 @!p0 $0x88, s6;
	s7 =	simm.s32 @p2 $0x1082  }
0x22: {  	[simem:s7], [sflag:s8] =	dma.local @!p0 [hbm:s6], $0xF7A  }
0x23: {  	s9 =	sor.u32 $0xD0000000, s2;
	s6 =	simm.s32 $0x108;
	_ =	swait.ge @!p0 [sflag:s8], $0x0  }
0x24: {  	s3 =	sadd.s32 $0x88, s3;
	s6 =	simm.s32 @!p1 $0x1082;
	[sflag:s4] =	ssyncset.s32 $0xFFFFF086  }
0x25: {  	[simem:s6], [sflag:s4] =	dma.local [hbm:s3], $0xF7A  }
0x26: {  	[smem:$0x3F9F] =	sst s1;
	(tag) =	ssettag s2;
	_ =	strace s9  }
0x27: {  	s1 =	sld [smem:$0x3FAF]  }
0x28: {  	s2 =	sld [smem:$0x3FB0]  }
0x29: {  	s4 =	sld [smem:$0x3FB2]  }
0x2a: {  	p0 =	seq.s32 s5, $0x0;
	s5 =	sld [smem:$0x3FB3]  }
0x2b: {  	s6 =	sld [smem:$0x3FB4]  }
0x2c: {  	s7 =	sld [smem:$0x3FB5]  }
0x2d: {  	s3 =	simm.s32 $0x108;
	s8 =	sld [smem:$0x3FB6]  }
0x2e: {  	s3 =	simm.s32 @!p0 $0x1082;
	s9 =	sld [smem:$0x3FB7]  }
0x2f: {  	lr =	sadd.s32 s0, s3;
	s0 =	sld [smem:$0x3FAE]  }
0x30: {  	s3 =	sld [smem:$0x3FB1]  }
0x31: {  	[smem:$0x3FBA] =	sst s10  }
0x32: {  	s10 =	sld [smem:$0x3FB8];
	_ =	sdelay $0x3  }
0x33: {  	p0 =	seq.s32 s10, $0x1;
	s10 =	sld [smem:$0x3FBA];
	_ =	sdelay $0x3  }
0x34: {  	[smem:$0x3FBA] =	sst s10  }
0x35: {  	s10 =	sld [smem:$0x3FB9];
	_ =	sdelay $0x3  }
0x36: {  	p1 =	seq.s32 s10, $0x1;
	s10 =	sld [smem:$0x3FBA];
	_ =	sdelay $0x3  }
0x37: {  	[smem:$0x3FBA] =	sst s10  }
0x38: {  	s10 =	sld [smem:$0x3FBB]  }
0x39: {  	_ = 	snop;
	(pc) =	sbr.ind lr, $3  }
0x3a: {  	_ = 	snop  }
0x3b: {  	_ = 	snop  }
0x3c: {  	p2 =	seq.s32 s10, $0x1;
	s10 =	sld [smem:$0x3FBA]  }
0x3d: {  	_ =	shalt  }
0x3e: {  	_ =	shalt  }
0x3f: {  	_ =	shalt  }
0x40: {  	_ =	shalt  }
0x41: {  	_ =	shalt  }
0x42: {  	_ =	shalt  }
0x43: {  	_ =	shalt  }
0x44: {  	_ =	shalt  }
0x45: {  	_ =	shalt  }
0x46: {  	_ =	shalt  }
0x47: {  	_ =	shalt  }
0x48: {  	_ =	shalt  }
0x49: {  	_ =	shalt  }
0x4a: {  	_ =	shalt  }
0x4b: {  	_ =	shalt  }
0x4c: {  	_ =	shalt  }
0x4d: {  	_ =	shalt  }
0x4e: {  	_ =	shalt  }
0x4f: {  	_ =	shalt  }
0x50: {  	_ =	shalt  }
0x51: {  	_ =	shalt  }
0x52: {  	_ =	shalt  }
0x53: {  	_ =	shalt  }
0x54: {  	_ =	shalt  }
0x55: {  	_ =	shalt  }
0x56: {  	_ =	shalt  }
0x57: {  	_ =	shalt  }
0x58: {  	_ =	shalt  }
0x59: {  	_ =	shalt  }
0x5a: {  	_ =	shalt  }
0x5b: {  	_ =	shalt  }
0x5c: {  	_ =	shalt  }
0x5d: {  	_ =	shalt  }
0x5e: {  	_ =	shalt  }
0x5f: {  	_ =	shalt  }
0x60: {  	_ =	shalt  }
0x61: {  	_ =	shalt  }
0x62: {  	_ =	shalt  }
0x63: {  	_ =	shalt  }
0x64: {  	_ =	shalt  }
0x65: {  	_ =	shalt  }
0x66: {  	_ =	shalt  }
0x67: {  	_ =	shalt  }
0x68: {  	_ =	shalt  }
0x69: {  	_ =	shalt  }
0x6a: {  	_ =	shalt  }
0x6b: {  	_ =	shalt  }
0x6c: {  	_ =	shalt  }
0x6d: {  	_ =	shalt  }
0x6e: {  	_ =	shalt  }
0x6f: {  	_ =	shalt  }
0x70: {  	_ =	shalt  }
0x71: {  	_ =	shalt  }
0x72: {  	_ =	shalt  }
0x73: {  	_ =	shalt  }
0x74: {  	_ =	shalt  }
0x75: {  	_ =	shalt  }
0x76: {  	_ =	shalt  }
0x77: {  	_ =	shalt  }
0x78: {  	_ =	shalt  }
0x79: {  	_ =	shalt  }
0x7a: {  	_ =	shalt  }
0x7b: {  	_ =	shalt  }
0x7c: {  	_ =	shalt  }
0x7d: {  	_ =	shalt  }
0x7e: {  	_ =	shalt  }
0x7f: {  	_ =	shalt  }
0x80: {  	_ =	shalt  }
0x81: {  	_ =	shalt  }
0x82: {  	_ =	shalt  }
0x83: {  	_ =	shalt  }
0x84: {  	_ =	shalt  }
0x85: {  	_ =	shalt  }
0x86: {  	_ =	shalt  }
0x87: {  	_ =	shalt  }
.Lfunc_end0:
.L_simem_size_0:
called_computation_lowered:
.L_overlay_start_0:
0x88: {  	s2 =	sld [smem:$0x3FD9]  }
0x89: {  	s3 =	sld [smem:$0x3FFE];
	_ =	sdelay $0x1  }
0x8a: {  	s1 =	srdreg.scid  }
0x8b: {  	s0 =	sand.u32 $0x1, s1  }
0x8c: {  	s18 =	sshll.u32 s0, $0xA;
	s2 =	sadd.s32 s3, s2  }
0x8d: {  	s2 =	sadd.s32 s2, s18  }
0x8e: {  	[smem:$0x3FC6] =	sst s2  }
0x8f: {  	_ = 	snop  }
0x90: {  	s2 =	sld [smem:$0x3FC9]  }
0x91: {  	s19 =	sld [smem:$0x3FC8]  }
0x92: {  	s4 =	sld [smem:$0x3FD0];
	(tm) =	ssettm $0x1  }
0x93: {  	s5 =	sld [smem:$0x3FFB];
	_ =	sdelay $0x3  }
0x94: {  	_ =	strace s5  }
0x95: {  	s5 =	sld [smem:$0x3FFC];
	_ =	sdelay $0x3  }
0x96: {  	_ =	strace s5  }
0x97: {  	s5 =	sld [smem:$0x3FFD];
	_ =	sdelay $0x3  }
0x98: {  	_ =	strace s5  }
0x99: {  	_ =	strace $0x8FFFFFFF  }
0x9a: {  	s20 =	sld [smem:$0x3FDB];
	_ =	sdelay $0x1  }
0x9b: {  	s6 =	simm.s32 $_scs_section_size  }
0x9c: {  	s7 =	simm.s32 $_size__tile_overlayer_lowered;
	s8 =	simm.s32 $_tile_overlayer_lowered  }
0x9d: {  	s23 =	simm.s32 $0x1BFF;
	s22 =	sshll.u32 s8, $0x1;
	s5 =	sadd.s32 s6, s20  }
0x9e: {  	s9 =	simm.s32 $0x0;
	s21 =	sshll.u32 s7, $0x1;
	s7 =	sadd.s32 s22, s5  }
0x9f: {  	[timem:s9], [sflag:s23] =	dma.local [hbm:s7], s21  }
0xa0: {  	_ =	swait.ge [sflag:s23], s21  }
0xa1: {  	s6 =	ssub.s32 $0x0, s21;
	[sflag:s23] =	ssyncset.done $0x0  }
0xa2: {  	[sflag:s23] =	ssyncadd.s32 s6;
	_ =	sdelay $0x1  }
0xa3: {  	s24 =	simm.s32 $0x1B8B  }
0xa4: {  	_ =	swait.ge [sflag:s24], $0x1  }
0xa5: {  	[sflag:s24] =	ssyncset.done $0x0  }
0xa6: {  	s25 =	simm.s32 $0x1B8E;
	[sflag:s24] =	ssyncadd.s32 $0xFFFFFFFF  }
0xa7: {  	s26 =	simm.s32 $execute0_lowered;
	[smem:$0x3FD2] =	sst s25  }
0xa8: {  	s6 =	sshll.u32 s26, $0x1;
	_ =	strace $0x80000046;
	[dreg:$0x1] =	wrdreg $0xFFFFFFFF  }
0xa9: {  	s28 =	simm.s32 $_size_execute0_lowered;
	s5 =	sadd.s32 s5, s6;
	[dreg:$0x0] =	wrdreg $0x0  }
0xaa: {  	s6 =	sshll.u32 s28, $0x1;
	[dreg:$0x2] =	wrdreg s5  }
0xab: {  	[dreg:$0x3] =	wrdreg s6  }
0xac: {  	[dreg:$0x4] =	wrdreg $0xC0  }
0xad: {  	_ =	task [dreg:s9], $0x5FFFF  }
0xae: {  	[dreg:$0x1] =	wrdreg $0xFFFFFFFF  }
0xaf: {  	[dreg:$0x0] =	wrdreg $0x60  }
0xb0: {  	[dreg:$0x2] =	wrdreg s2  }
0xb1: {  	[dreg:$0x3] =	wrdreg s19  }
0xb2: {  	[dreg:$0x4] =	wrdreg s4  }
0xb3: {  	[dreg:$0x5] =	wrdreg $0x180000  }
0xb4: {  	[dreg:$0x6] =	wrdreg $0x9  }
0xb5: {  	_ =	task.clear_ibuf [dreg:s9], $0x7FFFF;
	_ =	strace $0x90000046  }
0xb6: {  	s29 =	simm.s32 $0x9;
	_ =	strace $0x80000048  }
0xb7: {  	_ =	swait.ge [sflag:s29], $0x1  }
0xb8: {  	[sflag:s29] =	ssyncadd.s32 $0xFFFFFFFF  }
0xb9: {  	_ =	strace $0x90000048  }
0xba: {  	_ =	sfence  }
0xbb: {  	s30 =	sld [smem:$0x0];
	_ =	sdelay $0x2  }
0xbc: {  	s31 =	sshll.u32 s1, $0xD;
	s1 =	sshrl.u32 s1, $0x2  }
0xbd: {  	s3 =	sand.u32 $0x4000, s31;
	s1 =	sadd.s32 s1, s30  }
0xbe: {  	s0 =	sor.u32 s3, s0;
	s1 =	sshll.u32 s1, $0x11  }
0xbf: {  	s0 =	sor.u32 s1, s0  }
0xc0: {  	s0 =	sadd.s32 $0x8F2B, s0  }
0xc1: {  	[sflag:s0] =	ssyncadd.remote.s32 $0x1  }
0xc2: {  	_ =	sfence.sel $0xFFFF  }
0xc3: {  	[dreg:$0x0] =	wrdreg $0xFFFFFFFF;
	(pc) =	sbr.abs _section_cstart, $3  }
0xc4: {  	[dreg:$0x1] =	wrdreg $0xFFFFFFFF  }
0xc5: {  	_ =	task.clear_ibuf [dreg:s9], $0x2FFFF;
	_ =	strace $0x9FFFFFFF  }
0xc6: {  	(tm) =	ssettm $0x7FFFFFFF  }
0xc7: {  	_ =	shalt  }
tec
execute0_lowered:
.L_overlay_start_1:
0x0: {  	(tag) =	ssettag $0x1  }
0x1: {  	s4 =	rddreg [dreg:$0x0]  }
0x2: {  	s6 =	rddreg [dreg:$0x2]  }
0x3: {  	s2 =	rddreg [dreg:$0x3]  }
0x4: {  	s3 =	srdreg.scid;
	s7 =	stileid.u32  }
0x5: {  	s14 =	simm.s32 $0x14000;
	s15 =	simm.s32 $0x1;
	s16 =	simm.s32 $0x4  }
0x6: {  	s17 =	simm.s32 $0x5;
	s18 =	simm.s32 $0x6;
	s19 =	simm.s32 $0x7  }
0x7: {  	s20 =	simm.s32 $0x8;
	s21 =	simm.s32 $0x0;
	s8 =	sand.u32 $0x1, s3  }
0x8: {  	s3 =	simm.s32 $0x0;
	s5 =	sshll.u32 s7, $0x9;
	s31 =	sshll.u32 s7, $0x14  }
0x9: {  	p0 =	sne.s32 s7, $0x0;
	s9 =	sshll.u32 s8, $0x8;
	[smem:$0x7FF] =	sst s3  }
0xa: {  	s29 =	ssub.s32 $0x2, s8;
	s8 =	sshll.u32 s8, $0x13;
	s7 =	sshrl.u32 @!p0 s2, $0x3  }
0xb: {  	s5 =	sor.u32 s9, s5;
	_ =	strace $0x80000047;
	s11 =	sshrl.u32 s29, $0x1  }
0xc: {  	s10 =	sshll.u32 s5, $0xB;
	s5 =	sshll.u32 s5, $0x4;
	s9 =	ssub.s32 s29, s11  }
0xd: {  	s10 =	sadd.s32 s10, s6;
	s4 =	sadd.s32 s4, s5;
	s5 =	smax.u32 s9, $0x1  }
0xe: {  	s6 =	sadd.s32 s31, s6;
	s9 =	simm.s32 $0x80;
	s30 =	sadd.s32 $0x7F000, s10  }
0xf: {  	s10 =	sadd.s32 $0x7E800, s10;
	s6 =	sadd.s32 s8, s6;
	[dreg:$0x6] =	wrdreg s30  }
0x10: {  	s8 =	simm.s32 $0x9;
	[dreg:$0x5] =	wrdreg s10;
	s10 =	simm.s32 $0x8000  }
.LBB2_1:
0x11: {  	s22 =	simm.s32 @!p0 $0x1C09;
	s0 =	rddreg [dreg:$0x1]  }
0x12: {  	[spmem:s7], [sflag:s22] =	dma.local @!p0 [hbm:s0], $0x640  }
0x13: {  	s22 =	simm.s32 @!p0 $0x9  }
0x14: {  	_ =	swait.ge @!p0 [sflag:s22], $0x640  }
0x15: {  	[sflag:s22] =	ssyncset.done @!p0 $0x0  }
0x16: {  	[sflag:s22] =	ssyncadd.s32 @!p0 $0xFFFFF9C0  }
0x17: {  	[tilespmem:s3], [sflag:$0x9] =	stream.linear.gather [hbm4b:s4+s3], $0x8000, $0x38;
	[tilespmem:$0x18320] =	vst v63  }
0x18: {  	_ =	swait.ge [sflag:s8], $0x8000  }
0x19: {  	[sflag:s8] =	ssyncset.done $0x0  }
0x1a: {  	[sflag:s8] =	ssyncadd.s32 $0xFFFF8000  }
0x1b: {  	[bflag:$0x0] =	sbarrier.arrive $0xFFFF  }
0x1c: {  	[tilespmem:s10], [sflag:$0x1] =	stream.indirect.gather [spmem:s2], $0x80, s3, s9, $0xb8;
	[tilespmem:$0x18320] =	vst v63  }
0x1d: {  	s30 =	simm.s32 $0xC000;
	p1 =	por $0x1, $0x1  }
0x1e: {  	[tilespmem:s30], [sflag:$0x2] =	stream.indirect.gather [spmem:s2], $0x80, s9, s9, $0xb8;
	[tilespmem:$0x18320] =	vst v63  }
0x1f: {  	s31 =	simm.s32 $0x100;
	s1 =	simm.s32 $0x10000;
	s22 =	simm.s32 @!p1 $0x8  }
0x20: {  	[tilespmem:s1], [sflag:$0x3] =	stream.indirect.gather [spmem:s2], $0x80, s31, s9, $0xb8;
	[tilespmem:$0x18320] =	vst v63  }
0x21: {  	_ =	swait.ge @!p1 [sflag:s22], $0x4000  }
0x22: {  	[sflag:s22] =	ssyncset.done @!p1 $0x0  }
0x23: {  	s23 =	simm.s32 $0x180;
	[sflag:s22] =	ssyncadd.s32 @!p1 $0xFFFFC000  }
0x24: {  	[tilespmem:s14], [sflag:$0x4] =	stream.indirect.gather [spmem:s2], $0x80, s23, s9, $0xb8;
	[tilespmem:$0x18320] =	vst v63  }
0x25: {  	_ =	swait.ge [sflag:s15], $0x4000  }
0x26: {  	p1 =	por $0x0, $0x0;
	[sflag:s15] =	ssyncset.done $0x0  }
0x27: {  	s22 =	simm.s32 @p1 $0x2;
	[sflag:s15] =	ssyncadd.s32 $0xFFFFC000  }
0x28: {  	[hbm4b:s6+s3] =	stream.linear.scatter [tilespmem:s10], [sflag:$0x5], $0x4000, $0x38;
	[tilespmem:$0x18320] =	vst v63  }
0x29: {  	_ =	swait.ge @p1 [sflag:s22], $0x4000  }
0x2a: {  	s24 =	simm.s32 @p1 $0xC000;
	s25 =	simm.s32 @p1 $0x3;
	[sflag:s22] =	ssyncset.done @p1 $0x0  }
0x2b: {  	s23 =	rddreg [dreg:$0x5];
	[sflag:s22] =	ssyncadd.s32 @p1 $0xFFFFC000;
	s22 =	simm.s32 @p1 $0x0  }
0x2c: {  	[hbm4b:s23+s22] =	stream.linear.scatter @p1 [tilespmem:s24], [sflag:$0x6], $0x4000, $0x38;
	[tilespmem:$0x18320] =	vst v63  }
0x2d: {  	_ =	swait.ge @p1 [sflag:s25], $0x4000  }
0x2e: {  	s24 =	simm.s32 @p1 $0x10000;
	[sflag:s25] =	ssyncset.done @p1 $0x0  }
0x2f: {  	s23 =	rddreg [dreg:$0x6];
	[sflag:s25] =	ssyncadd.s32 @p1 $0xFFFFC000;
	s25 =	simm.s32 @!p1 $0x5  }
0x30: {  	[hbm4b:s23+s22] =	stream.linear.scatter @p1 [tilespmem:s24], [sflag:$0x7], $0x4000, $0x38;
	[tilespmem:$0x18320] =	vst v63  }
0x31: {  	_ =	swait.ge @!p1 [sflag:s25], $0x4000  }
0x32: {  	s26 =	simm.s32 @!p1 $0x80;
	s22 =	simm.s32 @!p1 $0x200;
	[sflag:s25] =	ssyncset.done @!p1 $0x0  }
0x33: {  	s23 =	simm.s32 @!p1 $0x8000;
	s24 =	simm.s32 @!p1 $0x2;
	[sflag:s25] =	ssyncadd.s32 @!p1 $0xFFFFC000  }
0x34: {  	[tilespmem:s23], [sflag:$0x1] =	stream.indirect.gather @!p1 [spmem:s2], $0x80, s22, s26, $0xb8;
	[tilespmem:$0x18320] =	vst v63  }
0x35: {  	_ =	swait.ge @!p1 [sflag:s24], $0x4000  }
0x36: {  	s25 =	simm.s32 @!p1 $0x0;
	s22 =	simm.s32 @!p1 $0xC000;
	[sflag:s24] =	ssyncset.done @!p1 $0x0  }
0x37: {  	s23 =	sadd.s32 @!p1 $0x800, s6;
	[sflag:s24] =	ssyncadd.s32 @!p1 $0xFFFFC000;
	s24 =	simm.s32 @!p1 $0x6  }
0x38: {  	[hbm4b:s23+s25] =	stream.linear.scatter @!p1 [tilespmem:s22], [sflag:$0x6], $0x4000, $0x38;
	[tilespmem:$0x18320] =	vst v63  }
0x39: {  	_ =	swait.ge @!p1 [sflag:s24], $0x4000  }
0x3a: {  	[sflag:s24] =	ssyncset.done @!p1 $0x0  }
0x3b: {  	s23 =	simm.s32 @!p1 $0x280;
	[sflag:s24] =	ssyncadd.s32 @!p1 $0xFFFFC000;
	s24 =	simm.s32 @!p1 $0x3  }
0x3c: {  	[tilespmem:s22], [sflag:$0x2] =	stream.indirect.gather @!p1 [spmem:s2], $0x80, s23, s26, $0xb8;
	[tilespmem:$0x18320] =	vst v63  }
0x3d: {  	_ =	swait.ge @!p1 [sflag:s24], $0x4000  }
0x3e: {  	s28 =	simm.s32 @!p1 $0x10000;
	[sflag:s24] =	ssyncset.done @!p1 $0x0  }
0x3f: {  	s29 =	simm.s32 @!p1 $0x7;
	s22 =	sadd.s32 @!p1 $0x1000, s6;
	[sflag:s24] =	ssyncadd.s32 @!p1 $0xFFFFC000  }
0x40: {  	[hbm4b:s22+s25] =	stream.linear.scatter @!p1 [tilespmem:s28], [sflag:$0x7], $0x4000, $0x38;
	[tilespmem:$0x18320] =	vst v63  }
0x41: {  	_ =	swait.ge @!p1 [sflag:s29], $0x4000  }
0x42: {  	p2 =	por $0x0, $0x0;
	[sflag:s29] =	ssyncset.done @!p1 $0x0  }
0x43: {  	s23 =	sadd.s32 $0x2000, s6;
	s22 =	simm.s32 @!p1 $0x300;
	[sflag:s29] =	ssyncadd.s32 @!p1 $0xFFFFC000  }
0x44: {  	[tilespmem:s28], [sflag:$0x3] =	stream.indirect.gather @!p1 [spmem:s2], $0x80, s22, s26, $0xb8;
	[tilespmem:$0x18320] =	vst v63  }
0x45: {  	s24 =	simm.s32 $0x800;
	s25 =	sadd.s32 $0x1800, s6;
	s26 =	simm.s32 $0x1000  }
0x46: {  	s22 =	sadd.s32 $0x1800, s23;
	s28 =	sadd.s32 $0x2000, s23;
	_ =	swait.ge [sflag:s16], $0x4000  }
.LBB2_2:
0x47: {  	[sflag:s16] =	ssyncset.done $0x0  }
0x48: {  	s29 =	simm.s32 @!p2 $0x8;
	[sflag:s16] =	ssyncadd.s32 $0xFFFFC000  }
0x49: {  	[hbm4b:s25+s3] =	stream.linear.scatter [tilespmem:s14], [sflag:$0x8], $0x4000, $0x38;
	[tilespmem:$0x18320] =	vst v63  }
0x4a: {  	_ =	swait.ge @!p2 [sflag:s29], $0x4000  }
0x4b: {  	s0 =	sshra.s32 s24, $0x2;
	[sflag:s29] =	ssyncset.done @!p2 $0x0  }
0x4c: {  	s0 =	sadd.s32 $0x180, s0;
	[sflag:s29] =	ssyncadd.s32 @!p2 $0xFFFFC000  }
0x4d: {  	[tilespmem:s14], [sflag:$0x4] =	stream.indirect.gather [spmem:s2], $0x80, s0, s9, $0xb8;
	[tilespmem:$0x18320] =	vst v63  }
0x4e: {  	_ =	swait.ge [sflag:s15], $0x4000  }
0x4f: {  	p2 =	seq.s32 s24, $0x1F800;
	[sflag:s15] =	ssyncset.done $0x0  }
0x50: {  	s0 =	simm.s32 @p2 $0x2;
	[sflag:s15] =	ssyncadd.s32 $0xFFFFC000  }
0x51: {  	[hbm4b:s23+s3] =	stream.linear.scatter [tilespmem:s10], [sflag:$0x5], $0x4000, $0x38;
	[tilespmem:$0x18320] =	vst v63  }
0x52: {  	s30 =	smov.u32 s26;
	_ =	swait.ge @p2 [sflag:s0], $0x4000  }
0x53: {  	s12 =	simm.s32 @p2 $0xC000;
	s13 =	simm.s32 @p2 $0x3;
	[sflag:s0] =	ssyncset.done @p2 $0x0  }
0x54: {  	s11 =	rddreg [dreg:$0x5];
	[sflag:s0] =	ssyncadd.s32 @p2 $0xFFFFC000;
	s0 =	simm.s32 @p2 $0x0  }
0x55: {  	[hbm4b:s11+s0] =	stream.linear.scatter @p2 [tilespmem:s12], [sflag:$0x6], $0x4000, $0x38;
	[tilespmem:$0x18320] =	vst v63  }
0x56: {  	s31 =	sadd.s32 $0x1800, s28;
	s25 =	smov.u32 s22;
	_ =	swait.ge @p2 [sflag:s13], $0x4000  }
0x57: {  	s24 =	sshra.s32 @!p2 s24, $0x2;
	s12 =	simm.s32 @p2 $0x10000;
	[sflag:s13] =	ssyncset.done @p2 $0x0  }
0x58: {  	s11 =	rddreg [dreg:$0x6];
	[sflag:s13] =	ssyncadd.s32 @p2 $0xFFFFC000;
	s13 =	simm.s32 @!p2 $0x5  }
0x59: {  	[hbm4b:s11+s0] =	stream.linear.scatter @p2 [tilespmem:s12], [sflag:$0x7], $0x4000, $0x38;
	[tilespmem:$0x18320] =	vst v63  }
0x5a: {  	s22 =	smov.u32 s31;
	s31 =	sadd.s32 @!p2 $0x200, s24;
	_ =	swait.ge @!p2 [sflag:s13], $0x4000  }
0x5b: {  	s1 =	sadd.s32 @!p2 $0x280, s24;
	s0 =	simm.s32 @!p2 $0x80;
	[sflag:s13] =	ssyncset.done @!p2 $0x0  }
0x5c: {  	s11 =	simm.s32 @!p2 $0x8000;
	s12 =	simm.s32 @!p2 $0x2;
	[sflag:s13] =	ssyncadd.s32 @!p2 $0xFFFFC000  }
0x5d: {  	[tilespmem:s11], [sflag:$0x1] =	stream.indirect.gather @!p2 [spmem:s2], $0x80, s31, s0, $0xb8;
	[tilespmem:$0x18320] =	vst v63  }
0x5e: {  	s29 =	sadd.s32 @!p2 $0x300, s24;
	s24 =	smov.u32 s30;
	_ =	swait.ge @!p2 [sflag:s12], $0x4000  }
0x5f: {  	s30 =	simm.s32 @!p2 $0x0;
	s13 =	sadd.s32 @!p2 $0x800, s23;
	[sflag:s12] =	ssyncset.done @!p2 $0x0  }
0x60: {  	s11 =	simm.s32 @!p2 $0xC000;
	[sflag:s12] =	ssyncadd.s32 @!p2 $0xFFFFC000;
	s12 =	simm.s32 @!p2 $0x6  }
0x61: {  	[hbm4b:s13+s30] =	stream.linear.scatter @!p2 [tilespmem:s11], [sflag:$0x6], $0x4000, $0x38;
	[tilespmem:$0x18320] =	vst v63  }
0x62: {  	_ =	swait.ge @!p2 [sflag:s12], $0x4000  }
0x63: {  	[sflag:s12] =	ssyncset.done @!p2 $0x0  }
0x64: {  	[sflag:s12] =	ssyncadd.s32 @!p2 $0xFFFFC000;
	s12 =	simm.s32 @!p2 $0x3  }
0x65: {  	[tilespmem:s11], [sflag:$0x2] =	stream.indirect.gather @!p2 [spmem:s2], $0x80, s1, s0, $0xb8;
	[tilespmem:$0x18320] =	vst v63  }
0x66: {  	s26 =	sadd.s32 $0x800, s26;
	_ =	swait.ge @!p2 [sflag:s12], $0x4000  }
0x67: {  	p1 =	sne.s32 s26, $0x20000;
	s1 =	sadd.s32 @!p2 $0x1000, s23;
	[sflag:s12] =	ssyncset.done @!p2 $0x0  }
0x68: {  	s11 =	simm.s32 @!p2 $0x10000;
	[sflag:s12] =	ssyncadd.s32 @!p2 $0xFFFFC000;
	s12 =	simm.s32 @!p2 $0x7  }
0x69: {  	[hbm4b:s1+s30] =	stream.linear.scatter @!p2 [tilespmem:s11], [sflag:$0x7], $0x4000, $0x38;
	[tilespmem:$0x18320] =	vst v63  }
.Ltmp0:
0x6a: {  	_ =	swait.ge @!p2 [sflag:s12], $0x4000;
	(pc) =	sbr.rel @p1 .LBB2_2-.Ltmp0, $4  }
0x6b: {  	[sflag:s12] =	ssyncset.done @!p2 $0x0  }
0x6c: {  	s23 =	smov.u32 s28;
	[sflag:s12] =	ssyncadd.s32 @!p2 $0xFFFFC000  }
0x6d: {  	[tilespmem:s11], [sflag:$0x3] =	stream.indirect.gather @!p2 [spmem:s2], $0x80, s29, s0, $0xb8;
	[tilespmem:$0x18320] =	vst v63  }
0x6e: {  	s28 =	sadd.s32 $0x2000, s28;
	p2 =	seq.s32 s24, $0x0;
	_ =	swait.ge [sflag:s16], $0x4000  }
0x6f: {  	[sflag:s16] =	ssyncset.done $0x0  }
0x70: {  	s0 =	simm.s32 @!p2 $0x8;
	[sflag:s16] =	ssyncadd.s32 $0xFFFFC000  }
0x71: {  	[hbm4b:s25+s3] =	stream.linear.scatter [tilespmem:s14], [sflag:$0x8], $0x4000, $0x38;
	[tilespmem:$0x18320] =	vst v63  }
0x72: {  	_ =	swait.ge @!p2 [sflag:s0], $0x4000  }
0x73: {  	s1 =	sshra.s32 s24, $0x2;
	[sflag:s0] =	ssyncset.done @!p2 $0x0  }
0x74: {  	s1 =	sadd.s32 $0x180, s1;
	[sflag:s0] =	ssyncadd.s32 @!p2 $0xFFFFC000  }
0x75: {  	[tilespmem:s14], [sflag:$0x4] =	stream.indirect.gather [spmem:s2], $0x80, s1, s9, $0xb8;
	[tilespmem:$0x18320] =	vst v63  }
0x76: {  	_ =	swait.ge [sflag:s15], $0x4000  }
0x77: {  	p1 =	seq.s32 s24, $0x1F800;
	[sflag:s15] =	ssyncset.done $0x0  }
0x78: {  	s0 =	simm.s32 @p1 $0x2;
	[sflag:s15] =	ssyncadd.s32 $0xFFFFC000  }
0x79: {  	[hbm4b:s23+s3] =	stream.linear.scatter [tilespmem:s10], [sflag:$0x5], $0x4000, $0x38;
	[tilespmem:$0x18320] =	vst v63  }
0x7a: {  	_ =	swait.ge @p1 [sflag:s0], $0x4000  }
0x7b: {  	s11 =	simm.s32 @p1 $0xC000;
	s12 =	simm.s32 @p1 $0x3;
	[sflag:s0] =	ssyncset.done @p1 $0x0  }
0x7c: {  	s1 =	rddreg [dreg:$0x5];
	[sflag:s0] =	ssyncadd.s32 @p1 $0xFFFFC000;
	s0 =	simm.s32 @p1 $0x0  }
0x7d: {  	[hbm4b:s1+s0] =	stream.linear.scatter @p1 [tilespmem:s11], [sflag:$0x6], $0x4000, $0x38;
	[tilespmem:$0x18320] =	vst v63  }
0x7e: {  	_ =	swait.ge @p1 [sflag:s12], $0x4000  }
0x7f: {  	s11 =	simm.s32 @p1 $0x10000;
	[sflag:s12] =	ssyncset.done @p1 $0x0  }
0x80: {  	s1 =	rddreg [dreg:$0x6];
	[sflag:s12] =	ssyncadd.s32 @p1 $0xFFFFC000;
	s12 =	simm.s32 @!p1 $0x5  }
0x81: {  	[hbm4b:s1+s0] =	stream.linear.scatter @p1 [tilespmem:s11], [sflag:$0x7], $0x4000, $0x38;
	[tilespmem:$0x18320] =	vst v63  }
0x82: {  	s13 =	simm.s32 @!p1 $0x8000;
	_ =	swait.ge @!p1 [sflag:s12], $0x4000  }
0x83: {  	s0 =	sshra.s32 @!p1 s24, $0x2;
	s11 =	simm.s32 @!p1 $0x80;
	[sflag:s12] =	ssyncset.done @!p1 $0x0  }
0x84: {  	s1 =	sadd.s32 @!p1 $0x200, s0;
	[sflag:s12] =	ssyncadd.s32 @!p1 $0xFFFFC000;
	s12 =	simm.s32 @!p1 $0x2  }
0x85: {  	[tilespmem:s13], [sflag:$0x1] =	stream.indirect.gather @!p1 [spmem:s2], $0x80, s1, s11, $0xb8;
	[tilespmem:$0x18320] =	vst v63  }
0x86: {  	_ =	swait.ge @!p1 [sflag:s12], $0x4000  }
0x87: {  	s24 =	simm.s32 @!p1 $0x0;
	s1 =	simm.s32 @!p1 $0xC000;
	[sflag:s12] =	ssyncset.done @!p1 $0x0  }
0x88: {  	s13 =	sadd.s32 @!p1 $0x800, s23;
	[sflag:s12] =	ssyncadd.s32 @!p1 $0xFFFFC000;
	s12 =	simm.s32 @!p1 $0x6  }
0x89: {  	[hbm4b:s13+s24] =	stream.linear.scatter @!p1 [tilespmem:s1], [sflag:$0x6], $0x4000, $0x38;
	[tilespmem:$0x18320] =	vst v63  }
0x8a: {  	_ =	swait.ge @!p1 [sflag:s12], $0x4000  }
0x8b: {  	[sflag:s12] =	ssyncset.done @!p1 $0x0  }
0x8c: {  	s13 =	sadd.s32 @!p1 $0x280, s0;
	[sflag:s12] =	ssyncadd.s32 @!p1 $0xFFFFC000;
	s12 =	simm.s32 @!p1 $0x3  }
0x8d: {  	[tilespmem:s1], [sflag:$0x2] =	stream.indirect.gather @!p1 [spmem:s2], $0x80, s13, s11, $0xb8;
	[tilespmem:$0x18320] =	vst v63  }
0x8e: {  	_ =	swait.ge @!p1 [sflag:s12], $0x4000  }
0x8f: {  	s1 =	sadd.s32 @!p1 $0x1000, s23;
	[sflag:s12] =	ssyncset.done @!p1 $0x0  }
0x90: {  	s13 =	simm.s32 @!p1 $0x10000;
	[sflag:s12] =	ssyncadd.s32 @!p1 $0xFFFFC000;
	s12 =	simm.s32 @!p1 $0x7  }
0x91: {  	[hbm4b:s1+s24] =	stream.linear.scatter @!p1 [tilespmem:s13], [sflag:$0x7], $0x4000, $0x38;
	[tilespmem:$0x18320] =	vst v63  }
0x92: {  	_ =	swait.ge @!p1 [sflag:s12], $0x4000  }
0x93: {  	[sflag:s12] =	ssyncset.done @!p1 $0x0  }
0x94: {  	s0 =	sadd.s32 @!p1 $0x300, s0;
	[sflag:s12] =	ssyncadd.s32 @!p1 $0xFFFFC000  }
0x95: {  	[tilespmem:s13], [sflag:$0x3] =	stream.indirect.gather @!p1 [spmem:s2], $0x80, s0, s11, $0xb8;
	[tilespmem:$0x18320] =	vst v63  }
0x96: {  	_ =	swait.ge [sflag:s16], $0x4000  }
0x97: {  	[sflag:s16] =	ssyncset.done $0x0  }
0x98: {  	[sflag:s16] =	ssyncadd.s32 $0xFFFFC000  }
0x99: {  	[hbm4b:s22+s3] =	stream.linear.scatter [tilespmem:s14], [sflag:$0x8], $0x4000, $0x38;
	[tilespmem:$0x18320] =	vst v63  }
0x9a: {  	_ =	swait.ge [sflag:s17], $0x4000  }
0x9b: {  	[sflag:s17] =	ssyncset.done $0x0  }
0x9c: {  	[sflag:s17] =	ssyncadd.s32 $0xFFFFC000  }
0x9d: {  	_ =	swait.ge [sflag:s18], $0x4000  }
0x9e: {  	[sflag:s18] =	ssyncset.done $0x0  }
0x9f: {  	s21 =	sadd.s32 $0x1, s21;
	[sflag:s18] =	ssyncadd.s32 $0xFFFFC000  }
0xa0: {  	p1 =	sne.s32 s21, s5;
	_ =	swait.ge [sflag:s19], $0x4000  }
.Ltmp1:
0xa1: {  	[sflag:s19] =	ssyncset.done $0x0;
	(pc) =	sbr.rel @p1 .LBB2_1-.Ltmp1, $4  }
0xa2: {  	[sflag:s19] =	ssyncadd.s32 $0xFFFFC000  }
0xa3: {  	_ =	swait.ge [sflag:s20], $0x4000  }
0xa4: {  	[sflag:s20] =	ssyncset.done $0x0  }
0xa5: {  	[sflag:s20] =	ssyncadd.s32 $0xFFFFC000  }
0xa6: {  	_ =	sfence.sel $0x180000  }
0xa7: {  	[bflag:$0x0] =	sbarrier.arrive $0xFFFF  }
0xa8: {  	_ =	strace $0x90000047  }
0xa9: {  	[bflag:$0x2] =	sbarrier.arrive $0xFFFF  }
0xaa: {  	s0 =	rddreg [dreg:$0x4]  }
0xab: {  	s0 =	sadd.s32 @!p0 $0x100000, s0  }
0xac: {  	[sflag:s0] =	ssyncadd.tile.s32 @!p0 $0x1;
	_ =	shalt  }
.Lfunc_end2:
_tile_overlayer_lowered:
.L_overlay_start_2:
0xad: {  	(tag) =	ssettag $0x2  }
0xae: {  	s0 =	rddreg [dreg:$0x0];
	s2 =	stileid.u32  }
0xaf: {  	s1 =	rddreg [dreg:$0x1];
	p0 =	sne.s32 s2, $0x0  }
0xb0: {  	s3 =	rddreg [dreg:$0x2];
	[bflag:$0x3] =	sbarrier.arrive $0xFFFF;
	s2 =	simm.s32 @!p0 $0x1C09  }
0xb1: {  	[timem:s3], [sflag:s2] =	dma.local @!p0 [hbm:s0], s1  }
0xb2: {  	s0 =	simm.s32 @!p0 $0x9  }
0xb3: {  	_ =	swait.ge @!p0 [sflag:s0], s1  }
0xb4: {  	s1 =	ssub.s32 @!p0 $0x0, s1;
	[sflag:s0] =	ssyncset.done @!p0 $0x0  }
0xb5: {  	[sflag:s0] =	ssyncadd.s32 @!p0 s1  }
0xb6: {  	[bflag:$0x3] =	sbarrier.arrive $0xFFFF  }
0xb7: {  	_ =	shalt  }

</sc_bundles>
